<compile_context>
chip_gen: v7x
topology: tpu7x:2x2x1
jax: 0.10.2.dev20260603
libtpu: 0.0.44.dev20260713+nightly
codegen_flags: <defaults>
</compile_context>

<pallas_src>
import functools

import jax
import jax.numpy as jnp
from jax import lax
from jax.experimental import pallas as pl
from jax.experimental.pallas import tpu as pltpu
from jax.experimental.pallas import tpu_sc as plsc

_NUM_CORES = 2
_NUM_SUBCORES = 16
_NW = _NUM_CORES * _NUM_SUBCORES
_L = 16
_CHUNK = 128


def _sc_gather_t(coef128, idx):
    B = idx.shape[0]
    D = 32
    b_per_w = B // _NW
    n_groups = b_per_w // _L
    mesh = plsc.VectorSubcoreMesh(core_axis_name="c", subcore_axis_name="s")

    @functools.partial(
        pl.kernel,
        mesh=mesh,
        out_type=jax.ShapeDtypeStruct((D, B), jnp.float32),
        scratch_types=[
            pltpu.VMEM((b_per_w,), jnp.int32),
            pltpu.VMEM((b_per_w,), jnp.int32),
            pltpu.VMEM((_CHUNK, 128), jnp.float32),
            pltpu.VMEM((D, b_per_w), jnp.float32),
            pltpu.SemaphoreType.DMA,
        ],
        compiler_params=pltpu.CompilerParams(needs_layout_passes=False),
    )
    def gather_kernel(table_hbm, idx_hbm, out_hbm, uidx_v, blk_idx_v,
                      blk_v, ct_v, sem):
        wid = lax.axis_index("s") * _NUM_CORES + lax.axis_index("c")
        base = wid * b_per_w
        pltpu.sync_copy(idx_hbm.at[pl.ds(base, b_per_w)], uidx_v)
        for g in range(n_groups):
            u = uidx_v[pl.ds(g * _L, _L)]
            blk_idx_v[pl.ds(g * _L, _L)] = lax.shift_right_logical(u, 2)

        lane = lax.iota(jnp.int32, _L)
        groups_per_chunk = _CHUNK // _L

        def chunk_body(t, carry):
            cbase = t * _CHUNK
            pltpu.async_copy(
                table_hbm.at[blk_idx_v.at[pl.ds(cbase, _CHUNK)]], blk_v, sem
            ).wait()

            def body(g, carry2):
                srow = cbase + g * _L
                rows = lane + g * _L
                u = uidx_v[pl.ds(srow, _L)]
                off = lax.shift_left(jnp.bitwise_and(u, 3), 5)
                for f in range(32):
                    vals = plsc.load_gather(blk_v, [rows, off + f])
                    ct_v[f, pl.ds(srow, _L)] = vals
                return carry2

            lax.fori_loop(0, groups_per_chunk, body, 0)
            return carry

        lax.fori_loop(0, b_per_w // _CHUNK, chunk_body, 0)
        pltpu.sync_copy(ct_v, out_hbm.at[:, pl.ds(base, b_per_w)])

    return gather_kernel(coef128, idx)


def _tc_body(xt_ref, ct_ref, o_ref):
    x = xt_ref[...]
    c = ct_ref[...]
    o_ref[...] = jnp.sum(x * c[None], axis=1)


def _tc_reduce_t(xt, ct):
    I, F, S = xt.shape
    Bs = 1024
    return pl.pallas_call(
        _tc_body,
        grid=(S // Bs,),
        in_specs=[
            pl.BlockSpec((I, F, Bs), lambda i: (0, 0, i)),
            pl.BlockSpec((F, Bs), lambda i: (0, i)),
        ],
        out_specs=pl.BlockSpec((I, Bs), lambda i: (0, i)),
        out_shape=jax.ShapeDtypeStruct((I, S), jnp.float32),
    )(xt, ct)


def kernel(x, user_index, coef):
    v, d = coef.shape
    coef128 = coef.reshape(v * d // 128, 128)
    xt = x.transpose(1, 2, 0)
    ct = _sc_gather_t(coef128, user_index.astype(jnp.int32))
    out_t = _tc_reduce_t(xt, ct)
    return out_t.T

# --- scband reference (transcript-rebuilt; emitter-appended) ---
"""Pipeline reference for scband-coefficient-26096221291184 (READ-ONLY COPY).

The authoritative reference and input builder live on the scoring server;
editing this copy changes nothing except your own understanding.
"""

import jax, jax.numpy as jnp
import numpy as np

NUM_USERS = 1000000
NUM_PARAMS = 32
NUM_SESSIONS = 16384
NUM_ITEMS = 26

def setup_inputs(seed: int = 0) -> dict:
    key = jax.random.key(seed)
    k1, k2, k3 = jax.random.split(key, 3)
    x = jax.random.normal(k1, (NUM_SESSIONS, NUM_ITEMS, NUM_PARAMS), dtype=jnp.float32)
    user_index = jax.random.randint(k2, (NUM_SESSIONS,), 0, NUM_USERS, dtype=jnp.int64 if jax.config.jax_enable_x64 else jnp.int32)
    # learned parameter: coefficient table for variation='user' -> (num_users, num_params)
    coef = jax.random.normal(k3, (NUM_USERS, NUM_PARAMS), dtype=jnp.float32) * 0.02
    return {"x": x, "user_index": user_index, "coef": coef}

def reference(x, user_index, coef):
    # variation == 'user': gather per-session user coefficients
    num_trips, num_items, num_feats = x.shape
    c = jnp.take(coef, user_index, axis=0)            # (num_trips, num_params) -- embedding gather
    c = jnp.broadcast_to(c[:, None, :], (num_trips, num_items, num_feats))
    return (x * c).sum(axis=-1)                       # (num_trips, num_items)

if __name__ == "__main__":
    import jax
    _d = setup_inputs()
    print(jax.jit(kernel)(*tuple(_d.values())))

</pallas_src>

<mosaic_0001>
#map = affine_map<(d0, d1) -> (0, 0)>
#map1 = affine_map<(d0, d1) -> (0)>
module attributes {stable_mosaic.version = 14 : i64} {
  func.func @gather_kernel(%arg0: i32, %arg1: i32, %arg2: memref<250000x128xf32, #tpu.memory_space<hbm>>, %arg3: memref<16384xi32, #tpu.memory_space<hbm>>, %arg4: memref<32x16384xf32, #tpu.memory_space<hbm>>, %arg5: memref<512xi32, #tpu.memory_space<vmem>>, %arg6: memref<512xi32, #tpu.memory_space<vmem>>, %arg7: memref<128x128xf32, #tpu.memory_space<vmem>>, %arg8: memref<32x512xf32, #tpu.memory_space<vmem>>, %arg9: memref<!tpu.dma_semaphore, #tpu.memory_space<semaphore_mem>>) attributes {dimension_semantics = [#tpu.dimension_semantics<core_parallel>, #tpu.dimension_semantics<subcore_parallel>], iteration_bounds = array<i64: 2, 16>, scalar_prefetch = 0 : i64, scratch_operands = 5 : i64, tpu.core_type = #tpu.core_type<sc_vector_subcore>, window_params = [{transform_indices = #map}, {transform_indices = #map1}, {transform_indices = #map}]} {
    %mul3A = arith.constant 2 : i32
    %mul3A_0 = arith.muli %arg1, %mul3A : i32
    %add3A = arith.addi %mul3A_0, %arg0 : i32
    %mul3A_1 = arith.constant 512 : i32
    %mul3A_2 = arith.muli %add3A, %mul3A_1 : i32
    "tpu.region"() ({
      %run_scoped3A = tpu.sem_alloc : memref<!tpu.dma_semaphore, #tpu.memory_space<semaphore_mem>>
      %dma_start3A = tpu.memref_slice %arg3[%mul3A_2] : memref<16384xi32, #tpu.memory_space<hbm>> -> memref<512xi32, #tpu.memory_space<hbm>>
      %dma_start3A_229 = tpu.memref_slice %arg3[%mul3A_2] : memref<16384xi32, #tpu.memory_space<hbm>> -> memref<512xi32, #tpu.memory_space<hbm>>
      tpu.enqueue_dma source(%dma_start3A_229 : memref<512xi32, #tpu.memory_space<hbm>>) target(%arg5 : memref<512xi32, #tpu.memory_space<vmem>>) target_semaphore(%run_scoped3A : memref<!tpu.dma_semaphore, #tpu.memory_space<semaphore_mem>>)
      %dma_wait3A = tpu.memref_slice %arg3[%mul3A_2] : memref<16384xi32, #tpu.memory_space<hbm>> -> memref<512xi32, #tpu.memory_space<hbm>>
      %dma_wait3A_230 = tpu.memref_slice %arg3[%mul3A_2] : memref<16384xi32, #tpu.memory_space<hbm>> -> memref<512xi32, #tpu.memory_space<hbm>>
      tpu.wait_dma2 semaphore(%run_scoped3A : memref<!tpu.dma_semaphore, #tpu.memory_space<semaphore_mem>>) src(%dma_wait3A_230 : memref<512xi32, #tpu.memory_space<hbm>>) dst(%arg5 : memref<512xi32, #tpu.memory_space<vmem>>)
      tpu.yield
    }) : () -> ()
    %get3A = arith.constant 0 : index
    %get3A_3 = tpu.vector_load %arg5[%get3A] {strides = array<i32>} : memref<512xi32, #tpu.memory_space<vmem>>, vector<16xi32>,
    %shift_right_logical3A = arith.constant 2 : i32
    %shift_right_logical3A_4 = vector.broadcast %shift_right_logical3A : i32 to vector<16xi32>
    %shift_right_logical3A_5 = arith.shrui %get3A_3, %shift_right_logical3A_4 : vector<16xi32>
    %swap3A = arith.constant 0 : index
    %swap3A_6 = tpu.vector_load %arg6[%swap3A] {strides = array<i32>} : memref<512xi32, #tpu.memory_space<vmem>>, vector<16xi32>,
    tpu.vector_store %arg6[%swap3A], %shift_right_logical3A_5 {strides = array<i32>} : memref<512xi32, #tpu.memory_space<vmem>>, vector<16xi32>,
    %get3A_7 = arith.constant 16 : index
    %get3A_8 = tpu.vector_load %arg5[%get3A_7] {strides = array<i32>} : memref<512xi32, #tpu.memory_space<vmem>>, vector<16xi32>,
    %shift_right_logical3A_9 = arith.constant 2 : i32
    %shift_right_logical3A_10 = vector.broadcast %shift_right_logical3A_9 : i32 to vector<16xi32>
    %shift_right_logical3A_11 = arith.shrui %get3A_8, %shift_right_logical3A_10 : vector<16xi32>
    %swap3A_12 = arith.constant 16 : index
    %swap3A_13 = tpu.vector_load %arg6[%swap3A_12] {strides = array<i32>} : memref<512xi32, #tpu.memory_space<vmem>>, vector<16xi32>,
    tpu.vector_store %arg6[%swap3A_12], %shift_right_logical3A_11 {strides = array<i32>} : memref<512xi32, #tpu.memory_space<vmem>>, vector<16xi32>,
    %get3A_14 = arith.constant 32 : index
    %get3A_15 = tpu.vector_load %arg5[%get3A_14] {strides = array<i32>} : memref<512xi32, #tpu.memory_space<vmem>>, vector<16xi32>,
    %shift_right_logical3A_16 = arith.constant 2 : i32
    %shift_right_logical3A_17 = vector.broadcast %shift_right_logical3A_16 : i32 to vector<16xi32>
    %shift_right_logical3A_18 = arith.shrui %get3A_15, %shift_right_logical3A_17 : vector<16xi32>
    %swap3A_19 = arith.constant 32 : index
    %swap3A_20 = tpu.vector_load %arg6[%swap3A_19] {strides = array<i32>} : memref<512xi32, #tpu.memory_space<vmem>>, vector<16xi32>,
    tpu.vector_store %arg6[%swap3A_19], %shift_right_logical3A_18 {strides = array<i32>} : memref<512xi32, #tpu.memory_space<vmem>>, vector<16xi32>,
    %get3A_21 = arith.constant 48 : index
    %get3A_22 = tpu.vector_load %arg5[%get3A_21] {strides = array<i32>} : memref<512xi32, #tpu.memory_space<vmem>>, vector<16xi32>,
    %shift_right_logical3A_23 = arith.constant 2 : i32
    %shift_right_logical3A_24 = vector.broadcast %shift_right_logical3A_23 : i32 to vector<16xi32>
    %shift_right_logical3A_25 = arith.shrui %get3A_22, %shift_right_logical3A_24 : vector<16xi32>
    %swap3A_26 = arith.constant 48 : index
    %swap3A_27 = tpu.vector_load %arg6[%swap3A_26] {strides = array<i32>} : memref<512xi32, #tpu.memory_space<vmem>>, vector<16xi32>,
    tpu.vector_store %arg6[%swap3A_26], %shift_right_logical3A_25 {strides = array<i32>} : memref<512xi32, #tpu.memory_space<vmem>>, vector<16xi32>,
    %get3A_28 = arith.constant 64 : index
    %get3A_29 = tpu.vector_load %arg5[%get3A_28] {strides = array<i32>} : memref<512xi32, #tpu.memory_space<vmem>>, vector<16xi32>,
    %shift_right_logical3A_30 = arith.constant 2 : i32
    %shift_right_logical3A_31 = vector.broadcast %shift_right_logical3A_30 : i32 to vector<16xi32>
    %shift_right_logical3A_32 = arith.shrui %get3A_29, %shift_right_logical3A_31 : vector<16xi32>
    %swap3A_33 = arith.constant 64 : index
    %swap3A_34 = tpu.vector_load %arg6[%swap3A_33] {strides = array<i32>} : memref<512xi32, #tpu.memory_space<vmem>>, vector<16xi32>,
    tpu.vector_store %arg6[%swap3A_33], %shift_right_logical3A_32 {strides = array<i32>} : memref<512xi32, #tpu.memory_space<vmem>>, vector<16xi32>,
    %get3A_35 = arith.constant 80 : index
    %get3A_36 = tpu.vector_load %arg5[%get3A_35] {strides = array<i32>} : memref<512xi32, #tpu.memory_space<vmem>>, vector<16xi32>,
    %shift_right_logical3A_37 = arith.constant 2 : i32
    %shift_right_logical3A_38 = vector.broadcast %shift_right_logical3A_37 : i32 to vector<16xi32>
    %shift_right_logical3A_39 = arith.shrui %get3A_36, %shift_right_logical3A_38 : vector<16xi32>
    %swap3A_40 = arith.constant 80 : index
    %swap3A_41 = tpu.vector_load %arg6[%swap3A_40] {strides = array<i32>} : memref<512xi32, #tpu.memory_space<vmem>>, vector<16xi32>,
    tpu.vector_store %arg6[%swap3A_40], %shift_right_logical3A_39 {strides = array<i32>} : memref<512xi32, #tpu.memory_space<vmem>>, vector<16xi32>,
    %get3A_42 = arith.constant 96 : index
    %get3A_43 = tpu.vector_load %arg5[%get3A_42] {strides = array<i32>} : memref<512xi32, #tpu.memory_space<vmem>>, vector<16xi32>,
    %shift_right_logical3A_44 = arith.constant 2 : i32
    %shift_right_logical3A_45 = vector.broadcast %shift_right_logical3A_44 : i32 to vector<16xi32>
    %shift_right_logical3A_46 = arith.shrui %get3A_43, %shift_right_logical3A_45 : vector<16xi32>
    %swap3A_47 = arith.constant 96 : index
    %swap3A_48 = tpu.vector_load %arg6[%swap3A_47] {strides = array<i32>} : memref<512xi32, #tpu.memory_space<vmem>>, vector<16xi32>,
    tpu.vector_store %arg6[%swap3A_47], %shift_right_logical3A_46 {strides = array<i32>} : memref<512xi32, #tpu.memory_space<vmem>>, vector<16xi32>,
    %get3A_49 = arith.constant 112 : index
    %get3A_50 = tpu.vector_load %arg5[%get3A_49] {strides = array<i32>} : memref<512xi32, #tpu.memory_space<vmem>>, vector<16xi32>,
    %shift_right_logical3A_51 = arith.constant 2 : i32
    %shift_right_logical3A_52 = vector.broadcast %shift_right_logical3A_51 : i32 to vector<16xi32>
    %shift_right_logical3A_53 = arith.shrui %get3A_50, %shift_right_logical3A_52 : vector<16xi32>
    %swap3A_54 = arith.constant 112 : index
    %swap3A_55 = tpu.vector_load %arg6[%swap3A_54] {strides = array<i32>} : memref<512xi32, #tpu.memory_space<vmem>>, vector<16xi32>,
    tpu.vector_store %arg6[%swap3A_54], %shift_right_logical3A_53 {strides = array<i32>} : memref<512xi32, #tpu.memory_space<vmem>>, vector<16xi32>,
    %get3A_56 = arith.constant 128 : index
    %get3A_57 = tpu.vector_load %arg5[%get3A_56] {strides = array<i32>} : memref<512xi32, #tpu.memory_space<vmem>>, vector<16xi32>,
    %shift_right_logical3A_58 = arith.constant 2 : i32
    %shift_right_logical3A_59 = vector.broadcast %shift_right_logical3A_58 : i32 to vector<16xi32>
    %shift_right_logical3A_60 = arith.shrui %get3A_57, %shift_right_logical3A_59 : vector<16xi32>
    %swap3A_61 = arith.constant 128 : index
    %swap3A_62 = tpu.vector_load %arg6[%swap3A_61] {strides = array<i32>} : memref<512xi32, #tpu.memory_space<vmem>>, vector<16xi32>,
    tpu.vector_store %arg6[%swap3A_61], %shift_right_logical3A_60 {strides = array<i32>} : memref<512xi32, #tpu.memory_space<vmem>>, vector<16xi32>,
    %get3A_63 = arith.constant 144 : index
    %get3A_64 = tpu.vector_load %arg5[%get3A_63] {strides = array<i32>} : memref<512xi32, #tpu.memory_space<vmem>>, vector<16xi32>,
    %shift_right_logical3A_65 = arith.constant 2 : i32
    %shift_right_logical3A_66 = vector.broadcast %shift_right_logical3A_65 : i32 to vector<16xi32>
    %shift_right_logical3A_67 = arith.shrui %get3A_64, %shift_right_logical3A_66 : vector<16xi32>
    %swap3A_68 = arith.constant 144 : index
    %swap3A_69 = tpu.vector_load %arg6[%swap3A_68] {strides = array<i32>} : memref<512xi32, #tpu.memory_space<vmem>>, vector<16xi32>,
    tpu.vector_store %arg6[%swap3A_68], %shift_right_logical3A_67 {strides = array<i32>} : memref<512xi32, #tpu.memory_space<vmem>>, vector<16xi32>,
    %get3A_70 = arith.constant 160 : index
    %get3A_71 = tpu.vector_load %arg5[%get3A_70] {strides = array<i32>} : memref<512xi32, #tpu.memory_space<vmem>>, vector<16xi32>,
    %shift_right_logical3A_72 = arith.constant 2 : i32
    %shift_right_logical3A_73 = vector.broadcast %shift_right_logical3A_72 : i32 to vector<16xi32>
    %shift_right_logical3A_74 = arith.shrui %get3A_71, %shift_right_logical3A_73 : vector<16xi32>
    %swap3A_75 = arith.constant 160 : index
    %swap3A_76 = tpu.vector_load %arg6[%swap3A_75] {strides = array<i32>} : memref<512xi32, #tpu.memory_space<vmem>>, vector<16xi32>,
    tpu.vector_store %arg6[%swap3A_75], %shift_right_logical3A_74 {strides = array<i32>} : memref<512xi32, #tpu.memory_space<vmem>>, vector<16xi32>,
    %get3A_77 = arith.constant 176 : index
    %get3A_78 = tpu.vector_load %arg5[%get3A_77] {strides = array<i32>} : memref<512xi32, #tpu.memory_space<vmem>>, vector<16xi32>,
    %shift_right_logical3A_79 = arith.constant 2 : i32
    %shift_right_logical3A_80 = vector.broadcast %shift_right_logical3A_79 : i32 to vector<16xi32>
    %shift_right_logical3A_81 = arith.shrui %get3A_78, %shift_right_logical3A_80 : vector<16xi32>
    %swap3A_82 = arith.constant 176 : index
    %swap3A_83 = tpu.vector_load %arg6[%swap3A_82] {strides = array<i32>} : memref<512xi32, #tpu.memory_space<vmem>>, vector<16xi32>,
    tpu.vector_store %arg6[%swap3A_82], %shift_right_logical3A_81 {strides = array<i32>} : memref<512xi32, #tpu.memory_space<vmem>>, vector<16xi32>,
    %get3A_84 = arith.constant 192 : index
    %get3A_85 = tpu.vector_load %arg5[%get3A_84] {strides = array<i32>} : memref<512xi32, #tpu.memory_space<vmem>>, vector<16xi32>,
    %shift_right_logical3A_86 = arith.constant 2 : i32
    %shift_right_logical3A_87 = vector.broadcast %shift_right_logical3A_86 : i32 to vector<16xi32>
    %shift_right_logical3A_88 = arith.shrui %get3A_85, %shift_right_logical3A_87 : vector<16xi32>
    %swap3A_89 = arith.constant 192 : index
    %swap3A_90 = tpu.vector_load %arg6[%swap3A_89] {strides = array<i32>} : memref<512xi32, #tpu.memory_space<vmem>>, vector<16xi32>,
    tpu.vector_store %arg6[%swap3A_89], %shift_right_logical3A_88 {strides = array<i32>} : memref<512xi32, #tpu.memory_space<vmem>>, vector<16xi32>,
    %get3A_91 = arith.constant 208 : index
    %get3A_92 = tpu.vector_load %arg5[%get3A_91] {strides = array<i32>} : memref<512xi32, #tpu.memory_space<vmem>>, vector<16xi32>,
    %shift_right_logical3A_93 = arith.constant 2 : i32
    %shift_right_logical3A_94 = vector.broadcast %shift_right_logical3A_93 : i32 to vector<16xi32>
    %shift_right_logical3A_95 = arith.shrui %get3A_92, %shift_right_logical3A_94 : vector<16xi32>
    %swap3A_96 = arith.constant 208 : index
    %swap3A_97 = tpu.vector_load %arg6[%swap3A_96] {strides = array<i32>} : memref<512xi32, #tpu.memory_space<vmem>>, vector<16xi32>,
    tpu.vector_store %arg6[%swap3A_96], %shift_right_logical3A_95 {strides = array<i32>} : memref<512xi32, #tpu.memory_space<vmem>>, vector<16xi32>,
    %get3A_98 = arith.constant 224 : index
    %get3A_99 = tpu.vector_load %arg5[%get3A_98] {strides = array<i32>} : memref<512xi32, #tpu.memory_space<vmem>>, vector<16xi32>,
    %shift_right_logical3A_100 = arith.constant 2 : i32
    %shift_right_logical3A_101 = vector.broadcast %shift_right_logical3A_100 : i32 to vector<16xi32>
    %shift_right_logical3A_102 = arith.shrui %get3A_99, %shift_right_logical3A_101 : vector<16xi32>
    %swap3A_103 = arith.constant 224 : index
    %swap3A_104 = tpu.vector_load %arg6[%swap3A_103] {strides = array<i32>} : memref<512xi32, #tpu.memory_space<vmem>>, vector<16xi32>,
    tpu.vector_store %arg6[%swap3A_103], %shift_right_logical3A_102 {strides = array<i32>} : memref<512xi32, #tpu.memory_space<vmem>>, vector<16xi32>,
    %get3A_105 = arith.constant 240 : index
    %get3A_106 = tpu.vector_load %arg5[%get3A_105] {strides = array<i32>} : memref<512xi32, #tpu.memory_space<vmem>>, vector<16xi32>,
    %shift_right_logical3A_107 = arith.constant 2 : i32
    %shift_right_logical3A_108 = vector.broadcast %shift_right_logical3A_107 : i32 to vector<16xi32>
    %shift_right_logical3A_109 = arith.shrui %get3A_106, %shift_right_logical3A_108 : vector<16xi32>
    %swap3A_110 = arith.constant 240 : index
    %swap3A_111 = tpu.vector_load %arg6[%swap3A_110] {strides = array<i32>} : memref<512xi32, #tpu.memory_space<vmem>>, vector<16xi32>,
    tpu.vector_store %arg6[%swap3A_110], %shift_right_logical3A_109 {strides = array<i32>} : memref<512xi32, #tpu.memory_space<vmem>>, vector<16xi32>,
    %get3A_112 = arith.constant 256 : index
    %get3A_113 = tpu.vector_load %arg5[%get3A_112] {strides = array<i32>} : memref<512xi32, #tpu.memory_space<vmem>>, vector<16xi32>,
    %shift_right_logical3A_114 = arith.constant 2 : i32
    %shift_right_logical3A_115 = vector.broadcast %shift_right_logical3A_114 : i32 to vector<16xi32>
    %shift_right_logical3A_116 = arith.shrui %get3A_113, %shift_right_logical3A_115 : vector<16xi32>
    %swap3A_117 = arith.constant 256 : index
    %swap3A_118 = tpu.vector_load %arg6[%swap3A_117] {strides = array<i32>} : memref<512xi32, #tpu.memory_space<vmem>>, vector<16xi32>,
    tpu.vector_store %arg6[%swap3A_117], %shift_right_logical3A_116 {strides = array<i32>} : memref<512xi32, #tpu.memory_space<vmem>>, vector<16xi32>,
    %get3A_119 = arith.constant 272 : index
    %get3A_120 = tpu.vector_load %arg5[%get3A_119] {strides = array<i32>} : memref<512xi32, #tpu.memory_space<vmem>>, vector<16xi32>,
    %shift_right_logical3A_121 = arith.constant 2 : i32
    %shift_right_logical3A_122 = vector.broadcast %shift_right_logical3A_121 : i32 to vector<16xi32>
    %shift_right_logical3A_123 = arith.shrui %get3A_120, %shift_right_logical3A_122 : vector<16xi32>
    %swap3A_124 = arith.constant 272 : index
    %swap3A_125 = tpu.vector_load %arg6[%swap3A_124] {strides = array<i32>} : memref<512xi32, #tpu.memory_space<vmem>>, vector<16xi32>,
    tpu.vector_store %arg6[%swap3A_124], %shift_right_logical3A_123 {strides = array<i32>} : memref<512xi32, #tpu.memory_space<vmem>>, vector<16xi32>,
    %get3A_126 = arith.constant 288 : index
    %get3A_127 = tpu.vector_load %arg5[%get3A_126] {strides = array<i32>} : memref<512xi32, #tpu.memory_space<vmem>>, vector<16xi32>,
    %shift_right_logical3A_128 = arith.constant 2 : i32
    %shift_right_logical3A_129 = vector.broadcast %shift_right_logical3A_128 : i32 to vector<16xi32>
    %shift_right_logical3A_130 = arith.shrui %get3A_127, %shift_right_logical3A_129 : vector<16xi32>
    %swap3A_131 = arith.constant 288 : index
    %swap3A_132 = tpu.vector_load %arg6[%swap3A_131] {strides = array<i32>} : memref<512xi32, #tpu.memory_space<vmem>>, vector<16xi32>,
    tpu.vector_store %arg6[%swap3A_131], %shift_right_logical3A_130 {strides = array<i32>} : memref<512xi32, #tpu.memory_space<vmem>>, vector<16xi32>,
    %get3A_133 = arith.constant 304 : index
    %get3A_134 = tpu.vector_load %arg5[%get3A_133] {strides = array<i32>} : memref<512xi32, #tpu.memory_space<vmem>>, vector<16xi32>,
    %shift_right_logical3A_135 = arith.constant 2 : i32
    %shift_right_logical3A_136 = vector.broadcast %shift_right_logical3A_135 : i32 to vector<16xi32>
    %shift_right_logical3A_137 = arith.shrui %get3A_134, %shift_right_logical3A_136 : vector<16xi32>
    %swap3A_138 = arith.constant 304 : index
    %swap3A_139 = tpu.vector_load %arg6[%swap3A_138] {strides = array<i32>} : memref<512xi32, #tpu.memory_space<vmem>>, vector<16xi32>,
    tpu.vector_store %arg6[%swap3A_138], %shift_right_logical3A_137 {strides = array<i32>} : memref<512xi32, #tpu.memory_space<vmem>>, vector<16xi32>,
    %get3A_140 = arith.constant 320 : index
    %get3A_141 = tpu.vector_load %arg5[%get3A_140] {strides = array<i32>} : memref<512xi32, #tpu.memory_space<vmem>>, vector<16xi32>,
    %shift_right_logical3A_142 = arith.constant 2 : i32
    %shift_right_logical3A_143 = vector.broadcast %shift_right_logical3A_142 : i32 to vector<16xi32>
    %shift_right_logical3A_144 = arith.shrui %get3A_141, %shift_right_logical3A_143 : vector<16xi32>
    %swap3A_145 = arith.constant 320 : index
    %swap3A_146 = tpu.vector_load %arg6[%swap3A_145] {strides = array<i32>} : memref<512xi32, #tpu.memory_space<vmem>>, vector<16xi32>,
    tpu.vector_store %arg6[%swap3A_145], %shift_right_logical3A_144 {strides = array<i32>} : memref<512xi32, #tpu.memory_space<vmem>>, vector<16xi32>,
    %get3A_147 = arith.constant 336 : index
    %get3A_148 = tpu.vector_load %arg5[%get3A_147] {strides = array<i32>} : memref<512xi32, #tpu.memory_space<vmem>>, vector<16xi32>,
    %shift_right_logical3A_149 = arith.constant 2 : i32
    %shift_right_logical3A_150 = vector.broadcast %shift_right_logical3A_149 : i32 to vector<16xi32>
    %shift_right_logical3A_151 = arith.shrui %get3A_148, %shift_right_logical3A_150 : vector<16xi32>
    %swap3A_152 = arith.constant 336 : index
    %swap3A_153 = tpu.vector_load %arg6[%swap3A_152] {strides = array<i32>} : memref<512xi32, #tpu.memory_space<vmem>>, vector<16xi32>,
    tpu.vector_store %arg6[%swap3A_152], %shift_right_logical3A_151 {strides = array<i32>} : memref<512xi32, #tpu.memory_space<vmem>>, vector<16xi32>,
    %get3A_154 = arith.constant 352 : index
    %get3A_155 = tpu.vector_load %arg5[%get3A_154] {strides = array<i32>} : memref<512xi32, #tpu.memory_space<vmem>>, vector<16xi32>,
    %shift_right_logical3A_156 = arith.constant 2 : i32
    %shift_right_logical3A_157 = vector.broadcast %shift_right_logical3A_156 : i32 to vector<16xi32>
    %shift_right_logical3A_158 = arith.shrui %get3A_155, %shift_right_logical3A_157 : vector<16xi32>
    %swap3A_159 = arith.constant 352 : index
    %swap3A_160 = tpu.vector_load %arg6[%swap3A_159] {strides = array<i32>} : memref<512xi32, #tpu.memory_space<vmem>>, vector<16xi32>,
    tpu.vector_store %arg6[%swap3A_159], %shift_right_logical3A_158 {strides = array<i32>} : memref<512xi32, #tpu.memory_space<vmem>>, vector<16xi32>,
    %get3A_161 = arith.constant 368 : index
    %get3A_162 = tpu.vector_load %arg5[%get3A_161] {strides = array<i32>} : memref<512xi32, #tpu.memory_space<vmem>>, vector<16xi32>,
    %shift_right_logical3A_163 = arith.constant 2 : i32
    %shift_right_logical3A_164 = vector.broadcast %shift_right_logical3A_163 : i32 to vector<16xi32>
    %shift_right_logical3A_165 = arith.shrui %get3A_162, %shift_right_logical3A_164 : vector<16xi32>
    %swap3A_166 = arith.constant 368 : index
    %swap3A_167 = tpu.vector_load %arg6[%swap3A_166] {strides = array<i32>} : memref<512xi32, #tpu.memory_space<vmem>>, vector<16xi32>,
    tpu.vector_store %arg6[%swap3A_166], %shift_right_logical3A_165 {strides = array<i32>} : memref<512xi32, #tpu.memory_space<vmem>>, vector<16xi32>,
    %get3A_168 = arith.constant 384 : index
    %get3A_169 = tpu.vector_load %arg5[%get3A_168] {strides = array<i32>} : memref<512xi32, #tpu.memory_space<vmem>>, vector<16xi32>,
    %shift_right_logical3A_170 = arith.constant 2 : i32
    %shift_right_logical3A_171 = vector.broadcast %shift_right_logical3A_170 : i32 to vector<16xi32>
    %shift_right_logical3A_172 = arith.shrui %get3A_169, %shift_right_logical3A_171 : vector<16xi32>
    %swap3A_173 = arith.constant 384 : index
    %swap3A_174 = tpu.vector_load %arg6[%swap3A_173] {strides = array<i32>} : memref<512xi32, #tpu.memory_space<vmem>>, vector<16xi32>,
    tpu.vector_store %arg6[%swap3A_173], %shift_right_logical3A_172 {strides = array<i32>} : memref<512xi32, #tpu.memory_space<vmem>>, vector<16xi32>,
    %get3A_175 = arith.constant 400 : index
    %get3A_176 = tpu.vector_load %arg5[%get3A_175] {strides = array<i32>} : memref<512xi32, #tpu.memory_space<vmem>>, vector<16xi32>,
    %shift_right_logical3A_177 = arith.constant 2 : i32
    %shift_right_logical3A_178 = vector.broadcast %shift_right_logical3A_177 : i32 to vector<16xi32>
    %shift_right_logical3A_179 = arith.shrui %get3A_176, %shift_right_logical3A_178 : vector<16xi32>
    %swap3A_180 = arith.constant 400 : index
    %swap3A_181 = tpu.vector_load %arg6[%swap3A_180] {strides = array<i32>} : memref<512xi32, #tpu.memory_space<vmem>>, vector<16xi32>,
    tpu.vector_store %arg6[%swap3A_180], %shift_right_logical3A_179 {strides = array<i32>} : memref<512xi32, #tpu.memory_space<vmem>>, vector<16xi32>,
    %get3A_182 = arith.constant 416 : index
    %get3A_183 = tpu.vector_load %arg5[%get3A_182] {strides = array<i32>} : memref<512xi32, #tpu.memory_space<vmem>>, vector<16xi32>,
    %shift_right_logical3A_184 = arith.constant 2 : i32
    %shift_right_logical3A_185 = vector.broadcast %shift_right_logical3A_184 : i32 to vector<16xi32>
    %shift_right_logical3A_186 = arith.shrui %get3A_183, %shift_right_logical3A_185 : vector<16xi32>
    %swap3A_187 = arith.constant 416 : index
    %swap3A_188 = tpu.vector_load %arg6[%swap3A_187] {strides = array<i32>} : memref<512xi32, #tpu.memory_space<vmem>>, vector<16xi32>,
    tpu.vector_store %arg6[%swap3A_187], %shift_right_logical3A_186 {strides = array<i32>} : memref<512xi32, #tpu.memory_space<vmem>>, vector<16xi32>,
    %get3A_189 = arith.constant 432 : index
    %get3A_190 = tpu.vector_load %arg5[%get3A_189] {strides = array<i32>} : memref<512xi32, #tpu.memory_space<vmem>>, vector<16xi32>,
    %shift_right_logical3A_191 = arith.constant 2 : i32
    %shift_right_logical3A_192 = vector.broadcast %shift_right_logical3A_191 : i32 to vector<16xi32>
    %shift_right_logical3A_193 = arith.shrui %get3A_190, %shift_right_logical3A_192 : vector<16xi32>
    %swap3A_194 = arith.constant 432 : index
    %swap3A_195 = tpu.vector_load %arg6[%swap3A_194] {strides = array<i32>} : memref<512xi32, #tpu.memory_space<vmem>>, vector<16xi32>,
    tpu.vector_store %arg6[%swap3A_194], %shift_right_logical3A_193 {strides = array<i32>} : memref<512xi32, #tpu.memory_space<vmem>>, vector<16xi32>,
    %get3A_196 = arith.constant 448 : index
    %get3A_197 = tpu.vector_load %arg5[%get3A_196] {strides = array<i32>} : memref<512xi32, #tpu.memory_space<vmem>>, vector<16xi32>,
    %shift_right_logical3A_198 = arith.constant 2 : i32
    %shift_right_logical3A_199 = vector.broadcast %shift_right_logical3A_198 : i32 to vector<16xi32>
    %shift_right_logical3A_200 = arith.shrui %get3A_197, %shift_right_logical3A_199 : vector<16xi32>
    %swap3A_201 = arith.constant 448 : index
    %swap3A_202 = tpu.vector_load %arg6[%swap3A_201] {strides = array<i32>} : memref<512xi32, #tpu.memory_space<vmem>>, vector<16xi32>,
    tpu.vector_store %arg6[%swap3A_201], %shift_right_logical3A_200 {strides = array<i32>} : memref<512xi32, #tpu.memory_space<vmem>>, vector<16xi32>,
    %get3A_203 = arith.constant 464 : index
    %get3A_204 = tpu.vector_load %arg5[%get3A_203] {strides = array<i32>} : memref<512xi32, #tpu.memory_space<vmem>>, vector<16xi32>,
    %shift_right_logical3A_205 = arith.constant 2 : i32
    %shift_right_logical3A_206 = vector.broadcast %shift_right_logical3A_205 : i32 to vector<16xi32>
    %shift_right_logical3A_207 = arith.shrui %get3A_204, %shift_right_logical3A_206 : vector<16xi32>
    %swap3A_208 = arith.constant 464 : index
    %swap3A_209 = tpu.vector_load %arg6[%swap3A_208] {strides = array<i32>} : memref<512xi32, #tpu.memory_space<vmem>>, vector<16xi32>,
    tpu.vector_store %arg6[%swap3A_208], %shift_right_logical3A_207 {strides = array<i32>} : memref<512xi32, #tpu.memory_space<vmem>>, vector<16xi32>,
    %get3A_210 = arith.constant 480 : index
    %get3A_211 = tpu.vector_load %arg5[%get3A_210] {strides = array<i32>} : memref<512xi32, #tpu.memory_space<vmem>>, vector<16xi32>,
    %shift_right_logical3A_212 = arith.constant 2 : i32
    %shift_right_logical3A_213 = vector.broadcast %shift_right_logical3A_212 : i32 to vector<16xi32>
    %shift_right_logical3A_214 = arith.shrui %get3A_211, %shift_right_logical3A_213 : vector<16xi32>
    %swap3A_215 = arith.constant 480 : index
    %swap3A_216 = tpu.vector_load %arg6[%swap3A_215] {strides = array<i32>} : memref<512xi32, #tpu.memory_space<vmem>>, vector<16xi32>,
    tpu.vector_store %arg6[%swap3A_215], %shift_right_logical3A_214 {strides = array<i32>} : memref<512xi32, #tpu.memory_space<vmem>>, vector<16xi32>,
    %get3A_217 = arith.constant 496 : index
    %get3A_218 = tpu.vector_load %arg5[%get3A_217] {strides = array<i32>} : memref<512xi32, #tpu.memory_space<vmem>>, vector<16xi32>,
    %shift_right_logical3A_219 = arith.constant 2 : i32
    %shift_right_logical3A_220 = vector.broadcast %shift_right_logical3A_219 : i32 to vector<16xi32>
    %shift_right_logical3A_221 = arith.shrui %get3A_218, %shift_right_logical3A_220 : vector<16xi32>
    %swap3A_222 = arith.constant 496 : index
    %swap3A_223 = tpu.vector_load %arg6[%swap3A_222] {strides = array<i32>} : memref<512xi32, #tpu.memory_space<vmem>>, vector<16xi32>,
    tpu.vector_store %arg6[%swap3A_222], %shift_right_logical3A_221 {strides = array<i32>} : memref<512xi32, #tpu.memory_space<vmem>>, vector<16xi32>,
    %iota3A = tpu.iota {dimensions = array<i32: 0>} : vector<16xi32>
    %scan3A = arith.constant 0 : i32
    %scan3A_224 = arith.constant 0 : i32
    %scan3A_225 = arith.constant 4 : i32
    %scan3A_226 = arith.addi %scan3A_224, %scan3A_225 : i32
    %scan3A_227 = arith.constant 1 : i32
    scf.for %scan3A_229 = %scan3A_224 to %scan3A_226 step %scan3A_227  : i32 {
      %mul3A_230 = arith.constant 128 : i32
      %mul3A_231 = arith.muli %scan3A_229, %mul3A_230 : i32
      %dma_start3A = tpu.memref_slice %arg6[%mul3A_231] : memref<512xi32, #tpu.memory_space<vmem>> -> memref<128xi32, #tpu.memory_space<vmem>>
      %dma_start3A_232 = arith.constant 0 : i32
      %dma_start3A_233 = arith.constant 0 : i32
      %dma_start3A_234 = tpu.memref_slice %arg2[%dma_start3A_232, %dma_start3A_233] : memref<250000x128xf32, #tpu.memory_space<hbm>> -> memref<250000x128xf32, #tpu.memory_space<hbm>>
      tpu.enqueue_indirect_dma source(%dma_start3A_234 : memref<250000x128xf32, #tpu.memory_space<hbm>>) target(%arg7 : memref<128x128xf32, #tpu.memory_space<vmem>>) offsets(%dma_start3A : memref<128xi32, #tpu.memory_space<vmem>>) semaphore(%arg9 : memref<!tpu.dma_semaphore, #tpu.memory_space<semaphore_mem>>)
      %dma_wait3A = tpu.memref_slice %arg6[%mul3A_231] : memref<512xi32, #tpu.memory_space<vmem>> -> memref<128xi32, #tpu.memory_space<vmem>>
      %dma_wait3A_235 = arith.constant 0 : i32
      %dma_wait3A_236 = arith.constant 0 : i32
      %dma_wait3A_237 = tpu.memref_slice %arg2[%dma_wait3A_235, %dma_wait3A_236] : memref<250000x128xf32, #tpu.memory_space<hbm>> -> memref<250000x128xf32, #tpu.memory_space<hbm>>
      tpu.wait_indirect_dma semaphore(%arg9 : memref<!tpu.dma_semaphore, #tpu.memory_space<semaphore_mem>>) src(%dma_wait3A_237 : memref<250000x128xf32, #tpu.memory_space<hbm>>) dst(%arg7 : memref<128x128xf32, #tpu.memory_space<vmem>>)
      %scan3A_238 = arith.constant 0 : i32
      %scan3A_239 = arith.constant 0 : i32
      %scan3A_240 = arith.constant 8 : i32
      %scan3A_241 = arith.addi %scan3A_239, %scan3A_240 : i32
      %scan3A_242 = arith.constant 1 : i32
      scf.for %scan3A_244 = %scan3A_239 to %scan3A_241 step %scan3A_242  : i32 {
        %mul3A_245 = arith.constant 16 : i32
        %mul3A_246 = arith.muli %scan3A_244, %mul3A_245 : i32
        %add3A_247 = arith.addi %mul3A_231, %mul3A_246 : i32
        %mul3A_248 = arith.constant 16 : i32
        %mul3A_249 = arith.muli %scan3A_244, %mul3A_248 : i32
        %add3A_250 = vector.broadcast %mul3A_249 : i32 to vector<16xi32>
        %add3A_251 = arith.addi %iota3A, %add3A_250 : vector<16xi32>
        %get3A_252 = arith.index_cast %add3A_247 : i32 to index
        %get3A_253 = tpu.vector_load %arg5[%get3A_252] {strides = array<i32>} : memref<512xi32, #tpu.memory_space<vmem>>, vector<16xi32>,
        %and3A = arith.constant 3 : i32
        %and3A_254 = vector.broadcast %and3A : i32 to vector<16xi32>
        %and3A_255 = arith.andi %get3A_253, %and3A_254 : vector<16xi32>
        %shift_left3A = arith.constant 5 : i32
        %shift_left3A_256 = vector.broadcast %shift_left3A : i32 to vector<16xi32>
        %shift_left3A_257 = arith.shli %and3A_255, %shift_left3A_256 : vector<16xi32>
        %add3A_258 = arith.constant 0 : i32
        %add3A_259 = vector.broadcast %add3A_258 : i32 to vector<16xi32>
        %add3A_260 = arith.addi %shift_left3A_257, %add3A_259 : vector<16xi32>
        %gather3A = tpu.vector_load_idx %arg7[%add3A_251, %add3A_260] : memref<128x128xf32, #tpu.memory_space<vmem>>[vector<16xi32>, vector<16xi32>], vector<16xf32>,
        %swap3A_261 = arith.constant 0 : i32
        %swap3A_262 = arith.index_cast %swap3A_261 : i32 to index
        %swap3A_263 = arith.index_cast %add3A_247 : i32 to index
        %swap3A_264 = tpu.vector_load %arg8[%swap3A_262, %swap3A_263] {strides = array<i32>} : memref<32x512xf32, #tpu.memory_space<vmem>>, vector<16xf32>,
        tpu.vector_store %arg8[%swap3A_262, %swap3A_263], %gather3A {strides = array<i32>} : memref<32x512xf32, #tpu.memory_space<vmem>>, vector<16xf32>,
        %add3A_265 = arith.constant 1 : i32
        %add3A_266 = vector.broadcast %add3A_265 : i32 to vector<16xi32>
        %add3A_267 = arith.addi %shift_left3A_257, %add3A_266 : vector<16xi32>
        %gather3A_268 = tpu.vector_load_idx %arg7[%add3A_251, %add3A_267] : memref<128x128xf32, #tpu.memory_space<vmem>>[vector<16xi32>, vector<16xi32>], vector<16xf32>,
        %swap3A_269 = arith.constant 1 : i32
        %swap3A_270 = arith.index_cast %swap3A_269 : i32 to index
        %swap3A_271 = arith.index_cast %add3A_247 : i32 to index
        %swap3A_272 = tpu.vector_load %arg8[%swap3A_270, %swap3A_271] {strides = array<i32>} : memref<32x512xf32, #tpu.memory_space<vmem>>, vector<16xf32>,
        tpu.vector_store %arg8[%swap3A_270, %swap3A_271], %gather3A_268 {strides = array<i32>} : memref<32x512xf32, #tpu.memory_space<vmem>>, vector<16xf32>,
        %add3A_273 = arith.constant 2 : i32
        %add3A_274 = vector.broadcast %add3A_273 : i32 to vector<16xi32>
        %add3A_275 = arith.addi %shift_left3A_257, %add3A_274 : vector<16xi32>
        %gather3A_276 = tpu.vector_load_idx %arg7[%add3A_251, %add3A_275] : memref<128x128xf32, #tpu.memory_space<vmem>>[vector<16xi32>, vector<16xi32>], vector<16xf32>,
        %swap3A_277 = arith.constant 2 : i32
        %swap3A_278 = arith.index_cast %swap3A_277 : i32 to index
        %swap3A_279 = arith.index_cast %add3A_247 : i32 to index
        %swap3A_280 = tpu.vector_load %arg8[%swap3A_278, %swap3A_279] {strides = array<i32>} : memref<32x512xf32, #tpu.memory_space<vmem>>, vector<16xf32>,
        tpu.vector_store %arg8[%swap3A_278, %swap3A_279], %gather3A_276 {strides = array<i32>} : memref<32x512xf32, #tpu.memory_space<vmem>>, vector<16xf32>,
        %add3A_281 = arith.constant 3 : i32
        %add3A_282 = vector.broadcast %add3A_281 : i32 to vector<16xi32>
        %add3A_283 = arith.addi %shift_left3A_257, %add3A_282 : vector<16xi32>
        %gather3A_284 = tpu.vector_load_idx %arg7[%add3A_251, %add3A_283] : memref<128x128xf32, #tpu.memory_space<vmem>>[vector<16xi32>, vector<16xi32>], vector<16xf32>,
        %swap3A_285 = arith.constant 3 : i32
        %swap3A_286 = arith.index_cast %swap3A_285 : i32 to index
        %swap3A_287 = arith.index_cast %add3A_247 : i32 to index
        %swap3A_288 = tpu.vector_load %arg8[%swap3A_286, %swap3A_287] {strides = array<i32>} : memref<32x512xf32, #tpu.memory_space<vmem>>, vector<16xf32>,
        tpu.vector_store %arg8[%swap3A_286, %swap3A_287], %gather3A_284 {strides = array<i32>} : memref<32x512xf32, #tpu.memory_space<vmem>>, vector<16xf32>,
        %add3A_289 = arith.constant 4 : i32
        %add3A_290 = vector.broadcast %add3A_289 : i32 to vector<16xi32>
        %add3A_291 = arith.addi %shift_left3A_257, %add3A_290 : vector<16xi32>
        %gather3A_292 = tpu.vector_load_idx %arg7[%add3A_251, %add3A_291] : memref<128x128xf32, #tpu.memory_space<vmem>>[vector<16xi32>, vector<16xi32>], vector<16xf32>,
        %swap3A_293 = arith.constant 4 : i32
        %swap3A_294 = arith.index_cast %swap3A_293 : i32 to index
        %swap3A_295 = arith.index_cast %add3A_247 : i32 to index
        %swap3A_296 = tpu.vector_load %arg8[%swap3A_294, %swap3A_295] {strides = array<i32>} : memref<32x512xf32, #tpu.memory_space<vmem>>, vector<16xf32>,
        tpu.vector_store %arg8[%swap3A_294, %swap3A_295], %gather3A_292 {strides = array<i32>} : memref<32x512xf32, #tpu.memory_space<vmem>>, vector<16xf32>,
        %add3A_297 = arith.constant 5 : i32
        %add3A_298 = vector.broadcast %add3A_297 : i32 to vector<16xi32>
        %add3A_299 = arith.addi %shift_left3A_257, %add3A_298 : vector<16xi32>
        %gather3A_300 = tpu.vector_load_idx %arg7[%add3A_251, %add3A_299] : memref<128x128xf32, #tpu.memory_space<vmem>>[vector<16xi32>, vector<16xi32>], vector<16xf32>,
        %swap3A_301 = arith.constant 5 : i32
        %swap3A_302 = arith.index_cast %swap3A_301 : i32 to index
        %swap3A_303 = arith.index_cast %add3A_247 : i32 to index
        %swap3A_304 = tpu.vector_load %arg8[%swap3A_302, %swap3A_303] {strides = array<i32>} : memref<32x512xf32, #tpu.memory_space<vmem>>, vector<16xf32>,
        tpu.vector_store %arg8[%swap3A_302, %swap3A_303], %gather3A_300 {strides = array<i32>} : memref<32x512xf32, #tpu.memory_space<vmem>>, vector<16xf32>,
        %add3A_305 = arith.constant 6 : i32
        %add3A_306 = vector.broadcast %add3A_305 : i32 to vector<16xi32>
        %add3A_307 = arith.addi %shift_left3A_257, %add3A_306 : vector<16xi32>
        %gather3A_308 = tpu.vector_load_idx %arg7[%add3A_251, %add3A_307] : memref<128x128xf32, #tpu.memory_space<vmem>>[vector<16xi32>, vector<16xi32>], vector<16xf32>,
        %swap3A_309 = arith.constant 6 : i32
        %swap3A_310 = arith.index_cast %swap3A_309 : i32 to index
        %swap3A_311 = arith.index_cast %add3A_247 : i32 to index
        %swap3A_312 = tpu.vector_load %arg8[%swap3A_310, %swap3A_311] {strides = array<i32>} : memref<32x512xf32, #tpu.memory_space<vmem>>, vector<16xf32>,
        tpu.vector_store %arg8[%swap3A_310, %swap3A_311], %gather3A_308 {strides = array<i32>} : memref<32x512xf32, #tpu.memory_space<vmem>>, vector<16xf32>,
        %add3A_313 = arith.constant 7 : i32
        %add3A_314 = vector.broadcast %add3A_313 : i32 to vector<16xi32>
        %add3A_315 = arith.addi %shift_left3A_257, %add3A_314 : vector<16xi32>
        %gather3A_316 = tpu.vector_load_idx %arg7[%add3A_251, %add3A_315] : memref<128x128xf32, #tpu.memory_space<vmem>>[vector<16xi32>, vector<16xi32>], vector<16xf32>,
        %swap3A_317 = arith.constant 7 : i32
        %swap3A_318 = arith.index_cast %swap3A_317 : i32 to index
        %swap3A_319 = arith.index_cast %add3A_247 : i32 to index
        %swap3A_320 = tpu.vector_load %arg8[%swap3A_318, %swap3A_319] {strides = array<i32>} : memref<32x512xf32, #tpu.memory_space<vmem>>, vector<16xf32>,
        tpu.vector_store %arg8[%swap3A_318, %swap3A_319], %gather3A_316 {strides = array<i32>} : memref<32x512xf32, #tpu.memory_space<vmem>>, vector<16xf32>,
        %add3A_321 = arith.constant 8 : i32
        %add3A_322 = vector.broadcast %add3A_321 : i32 to vector<16xi32>
        %add3A_323 = arith.addi %shift_left3A_257, %add3A_322 : vector<16xi32>
        %gather3A_324 = tpu.vector_load_idx %arg7[%add3A_251, %add3A_323] : memref<128x128xf32, #tpu.memory_space<vmem>>[vector<16xi32>, vector<16xi32>], vector<16xf32>,
        %swap3A_325 = arith.constant 8 : i32
        %swap3A_326 = arith.index_cast %swap3A_325 : i32 to index
        %swap3A_327 = arith.index_cast %add3A_247 : i32 to index
        %swap3A_328 = tpu.vector_load %arg8[%swap3A_326, %swap3A_327] {strides = array<i32>} : memref<32x512xf32, #tpu.memory_space<vmem>>, vector<16xf32>,
        tpu.vector_store %arg8[%swap3A_326, %swap3A_327], %gather3A_324 {strides = array<i32>} : memref<32x512xf32, #tpu.memory_space<vmem>>, vector<16xf32>,
        %add3A_329 = arith.constant 9 : i32
        %add3A_330 = vector.broadcast %add3A_329 : i32 to vector<16xi32>
        %add3A_331 = arith.addi %shift_left3A_257, %add3A_330 : vector<16xi32>
        %gather3A_332 = tpu.vector_load_idx %arg7[%add3A_251, %add3A_331] : memref<128x128xf32, #tpu.memory_space<vmem>>[vector<16xi32>, vector<16xi32>], vector<16xf32>,
        %swap3A_333 = arith.constant 9 : i32
        %swap3A_334 = arith.index_cast %swap3A_333 : i32 to index
        %swap3A_335 = arith.index_cast %add3A_247 : i32 to index
        %swap3A_336 = tpu.vector_load %arg8[%swap3A_334, %swap3A_335] {strides = array<i32>} : memref<32x512xf32, #tpu.memory_space<vmem>>, vector<16xf32>,
        tpu.vector_store %arg8[%swap3A_334, %swap3A_335], %gather3A_332 {strides = array<i32>} : memref<32x512xf32, #tpu.memory_space<vmem>>, vector<16xf32>,
        %add3A_337 = arith.constant 10 : i32
        %add3A_338 = vector.broadcast %add3A_337 : i32 to vector<16xi32>
        %add3A_339 = arith.addi %shift_left3A_257, %add3A_338 : vector<16xi32>
        %gather3A_340 = tpu.vector_load_idx %arg7[%add3A_251, %add3A_339] : memref<128x128xf32, #tpu.memory_space<vmem>>[vector<16xi32>, vector<16xi32>], vector<16xf32>,
        %swap3A_341 = arith.constant 10 : i32
        %swap3A_342 = arith.index_cast %swap3A_341 : i32 to index
        %swap3A_343 = arith.index_cast %add3A_247 : i32 to index
        %swap3A_344 = tpu.vector_load %arg8[%swap3A_342, %swap3A_343] {strides = array<i32>} : memref<32x512xf32, #tpu.memory_space<vmem>>, vector<16xf32>,
        tpu.vector_store %arg8[%swap3A_342, %swap3A_343], %gather3A_340 {strides = array<i32>} : memref<32x512xf32, #tpu.memory_space<vmem>>, vector<16xf32>,
        %add3A_345 = arith.constant 11 : i32
        %add3A_346 = vector.broadcast %add3A_345 : i32 to vector<16xi32>
        %add3A_347 = arith.addi %shift_left3A_257, %add3A_346 : vector<16xi32>
        %gather3A_348 = tpu.vector_load_idx %arg7[%add3A_251, %add3A_347] : memref<128x128xf32, #tpu.memory_space<vmem>>[vector<16xi32>, vector<16xi32>], vector<16xf32>,
        %swap3A_349 = arith.constant 11 : i32
        %swap3A_350 = arith.index_cast %swap3A_349 : i32 to index
        %swap3A_351 = arith.index_cast %add3A_247 : i32 to index
        %swap3A_352 = tpu.vector_load %arg8[%swap3A_350, %swap3A_351] {strides = array<i32>} : memref<32x512xf32, #tpu.memory_space<vmem>>, vector<16xf32>,
        tpu.vector_store %arg8[%swap3A_350, %swap3A_351], %gather3A_348 {strides = array<i32>} : memref<32x512xf32, #tpu.memory_space<vmem>>, vector<16xf32>,
        %add3A_353 = arith.constant 12 : i32
        %add3A_354 = vector.broadcast %add3A_353 : i32 to vector<16xi32>
        %add3A_355 = arith.addi %shift_left3A_257, %add3A_354 : vector<16xi32>
        %gather3A_356 = tpu.vector_load_idx %arg7[%add3A_251, %add3A_355] : memref<128x128xf32, #tpu.memory_space<vmem>>[vector<16xi32>, vector<16xi32>], vector<16xf32>,
        %swap3A_357 = arith.constant 12 : i32
        %swap3A_358 = arith.index_cast %swap3A_357 : i32 to index
        %swap3A_359 = arith.index_cast %add3A_247 : i32 to index
        %swap3A_360 = tpu.vector_load %arg8[%swap3A_358, %swap3A_359] {strides = array<i32>} : memref<32x512xf32, #tpu.memory_space<vmem>>, vector<16xf32>,
        tpu.vector_store %arg8[%swap3A_358, %swap3A_359], %gather3A_356 {strides = array<i32>} : memref<32x512xf32, #tpu.memory_space<vmem>>, vector<16xf32>,
        %add3A_361 = arith.constant 13 : i32
        %add3A_362 = vector.broadcast %add3A_361 : i32 to vector<16xi32>
        %add3A_363 = arith.addi %shift_left3A_257, %add3A_362 : vector<16xi32>
        %gather3A_364 = tpu.vector_load_idx %arg7[%add3A_251, %add3A_363] : memref<128x128xf32, #tpu.memory_space<vmem>>[vector<16xi32>, vector<16xi32>], vector<16xf32>,
        %swap3A_365 = arith.constant 13 : i32
        %swap3A_366 = arith.index_cast %swap3A_365 : i32 to index
        %swap3A_367 = arith.index_cast %add3A_247 : i32 to index
        %swap3A_368 = tpu.vector_load %arg8[%swap3A_366, %swap3A_367] {strides = array<i32>} : memref<32x512xf32, #tpu.memory_space<vmem>>, vector<16xf32>,
        tpu.vector_store %arg8[%swap3A_366, %swap3A_367], %gather3A_364 {strides = array<i32>} : memref<32x512xf32, #tpu.memory_space<vmem>>, vector<16xf32>,
        %add3A_369 = arith.constant 14 : i32
        %add3A_370 = vector.broadcast %add3A_369 : i32 to vector<16xi32>
        %add3A_371 = arith.addi %shift_left3A_257, %add3A_370 : vector<16xi32>
        %gather3A_372 = tpu.vector_load_idx %arg7[%add3A_251, %add3A_371] : memref<128x128xf32, #tpu.memory_space<vmem>>[vector<16xi32>, vector<16xi32>], vector<16xf32>,
        %swap3A_373 = arith.constant 14 : i32
        %swap3A_374 = arith.index_cast %swap3A_373 : i32 to index
        %swap3A_375 = arith.index_cast %add3A_247 : i32 to index
        %swap3A_376 = tpu.vector_load %arg8[%swap3A_374, %swap3A_375] {strides = array<i32>} : memref<32x512xf32, #tpu.memory_space<vmem>>, vector<16xf32>,
        tpu.vector_store %arg8[%swap3A_374, %swap3A_375], %gather3A_372 {strides = array<i32>} : memref<32x512xf32, #tpu.memory_space<vmem>>, vector<16xf32>,
        %add3A_377 = arith.constant 15 : i32
        %add3A_378 = vector.broadcast %add3A_377 : i32 to vector<16xi32>
        %add3A_379 = arith.addi %shift_left3A_257, %add3A_378 : vector<16xi32>
        %gather3A_380 = tpu.vector_load_idx %arg7[%add3A_251, %add3A_379] : memref<128x128xf32, #tpu.memory_space<vmem>>[vector<16xi32>, vector<16xi32>], vector<16xf32>,
        %swap3A_381 = arith.constant 15 : i32
        %swap3A_382 = arith.index_cast %swap3A_381 : i32 to index
        %swap3A_383 = arith.index_cast %add3A_247 : i32 to index
        %swap3A_384 = tpu.vector_load %arg8[%swap3A_382, %swap3A_383] {strides = array<i32>} : memref<32x512xf32, #tpu.memory_space<vmem>>, vector<16xf32>,
        tpu.vector_store %arg8[%swap3A_382, %swap3A_383], %gather3A_380 {strides = array<i32>} : memref<32x512xf32, #tpu.memory_space<vmem>>, vector<16xf32>,
        %add3A_385 = arith.constant 16 : i32
        %add3A_386 = vector.broadcast %add3A_385 : i32 to vector<16xi32>
        %add3A_387 = arith.addi %shift_left3A_257, %add3A_386 : vector<16xi32>
        %gather3A_388 = tpu.vector_load_idx %arg7[%add3A_251, %add3A_387] : memref<128x128xf32, #tpu.memory_space<vmem>>[vector<16xi32>, vector<16xi32>], vector<16xf32>,
        %swap3A_389 = arith.constant 16 : i32
        %swap3A_390 = arith.index_cast %swap3A_389 : i32 to index
        %swap3A_391 = arith.index_cast %add3A_247 : i32 to index
        %swap3A_392 = tpu.vector_load %arg8[%swap3A_390, %swap3A_391] {strides = array<i32>} : memref<32x512xf32, #tpu.memory_space<vmem>>, vector<16xf32>,
        tpu.vector_store %arg8[%swap3A_390, %swap3A_391], %gather3A_388 {strides = array<i32>} : memref<32x512xf32, #tpu.memory_space<vmem>>, vector<16xf32>,
        %add3A_393 = arith.constant 17 : i32
        %add3A_394 = vector.broadcast %add3A_393 : i32 to vector<16xi32>
        %add3A_395 = arith.addi %shift_left3A_257, %add3A_394 : vector<16xi32>
        %gather3A_396 = tpu.vector_load_idx %arg7[%add3A_251, %add3A_395] : memref<128x128xf32, #tpu.memory_space<vmem>>[vector<16xi32>, vector<16xi32>], vector<16xf32>,
        %swap3A_397 = arith.constant 17 : i32
        %swap3A_398 = arith.index_cast %swap3A_397 : i32 to index
        %swap3A_399 = arith.index_cast %add3A_247 : i32 to index
        %swap3A_400 = tpu.vector_load %arg8[%swap3A_398, %swap3A_399] {strides = array<i32>} : memref<32x512xf32, #tpu.memory_space<vmem>>, vector<16xf32>,
        tpu.vector_store %arg8[%swap3A_398, %swap3A_399], %gather3A_396 {strides = array<i32>} : memref<32x512xf32, #tpu.memory_space<vmem>>, vector<16xf32>,
        %add3A_401 = arith.constant 18 : i32
        %add3A_402 = vector.broadcast %add3A_401 : i32 to vector<16xi32>
        %add3A_403 = arith.addi %shift_left3A_257, %add3A_402 : vector<16xi32>
        %gather3A_404 = tpu.vector_load_idx %arg7[%add3A_251, %add3A_403] : memref<128x128xf32, #tpu.memory_space<vmem>>[vector<16xi32>, vector<16xi32>], vector<16xf32>,
        %swap3A_405 = arith.constant 18 : i32
        %swap3A_406 = arith.index_cast %swap3A_405 : i32 to index
        %swap3A_407 = arith.index_cast %add3A_247 : i32 to index
        %swap3A_408 = tpu.vector_load %arg8[%swap3A_406, %swap3A_407] {strides = array<i32>} : memref<32x512xf32, #tpu.memory_space<vmem>>, vector<16xf32>,
        tpu.vector_store %arg8[%swap3A_406, %swap3A_407], %gather3A_404 {strides = array<i32>} : memref<32x512xf32, #tpu.memory_space<vmem>>, vector<16xf32>,
        %add3A_409 = arith.constant 19 : i32
        %add3A_410 = vector.broadcast %add3A_409 : i32 to vector<16xi32>
        %add3A_411 = arith.addi %shift_left3A_257, %add3A_410 : vector<16xi32>
        %gather3A_412 = tpu.vector_load_idx %arg7[%add3A_251, %add3A_411] : memref<128x128xf32, #tpu.memory_space<vmem>>[vector<16xi32>, vector<16xi32>], vector<16xf32>,
        %swap3A_413 = arith.constant 19 : i32
        %swap3A_414 = arith.index_cast %swap3A_413 : i32 to index
        %swap3A_415 = arith.index_cast %add3A_247 : i32 to index
        %swap3A_416 = tpu.vector_load %arg8[%swap3A_414, %swap3A_415] {strides = array<i32>} : memref<32x512xf32, #tpu.memory_space<vmem>>, vector<16xf32>,
        tpu.vector_store %arg8[%swap3A_414, %swap3A_415], %gather3A_412 {strides = array<i32>} : memref<32x512xf32, #tpu.memory_space<vmem>>, vector<16xf32>,
        %add3A_417 = arith.constant 20 : i32
        %add3A_418 = vector.broadcast %add3A_417 : i32 to vector<16xi32>
        %add3A_419 = arith.addi %shift_left3A_257, %add3A_418 : vector<16xi32>
        %gather3A_420 = tpu.vector_load_idx %arg7[%add3A_251, %add3A_419] : memref<128x128xf32, #tpu.memory_space<vmem>>[vector<16xi32>, vector<16xi32>], vector<16xf32>,
        %swap3A_421 = arith.constant 20 : i32
        %swap3A_422 = arith.index_cast %swap3A_421 : i32 to index
        %swap3A_423 = arith.index_cast %add3A_247 : i32 to index
        %swap3A_424 = tpu.vector_load %arg8[%swap3A_422, %swap3A_423] {strides = array<i32>} : memref<32x512xf32, #tpu.memory_space<vmem>>, vector<16xf32>,
        tpu.vector_store %arg8[%swap3A_422, %swap3A_423], %gather3A_420 {strides = array<i32>} : memref<32x512xf32, #tpu.memory_space<vmem>>, vector<16xf32>,
        %add3A_425 = arith.constant 21 : i32
        %add3A_426 = vector.broadcast %add3A_425 : i32 to vector<16xi32>
        %add3A_427 = arith.addi %shift_left3A_257, %add3A_426 : vector<16xi32>
        %gather3A_428 = tpu.vector_load_idx %arg7[%add3A_251, %add3A_427] : memref<128x128xf32, #tpu.memory_space<vmem>>[vector<16xi32>, vector<16xi32>], vector<16xf32>,
        %swap3A_429 = arith.constant 21 : i32
        %swap3A_430 = arith.index_cast %swap3A_429 : i32 to index
        %swap3A_431 = arith.index_cast %add3A_247 : i32 to index
        %swap3A_432 = tpu.vector_load %arg8[%swap3A_430, %swap3A_431] {strides = array<i32>} : memref<32x512xf32, #tpu.memory_space<vmem>>, vector<16xf32>,
        tpu.vector_store %arg8[%swap3A_430, %swap3A_431], %gather3A_428 {strides = array<i32>} : memref<32x512xf32, #tpu.memory_space<vmem>>, vector<16xf32>,
        %add3A_433 = arith.constant 22 : i32
        %add3A_434 = vector.broadcast %add3A_433 : i32 to vector<16xi32>
        %add3A_435 = arith.addi %shift_left3A_257, %add3A_434 : vector<16xi32>
        %gather3A_436 = tpu.vector_load_idx %arg7[%add3A_251, %add3A_435] : memref<128x128xf32, #tpu.memory_space<vmem>>[vector<16xi32>, vector<16xi32>], vector<16xf32>,
        %swap3A_437 = arith.constant 22 : i32
        %swap3A_438 = arith.index_cast %swap3A_437 : i32 to index
        %swap3A_439 = arith.index_cast %add3A_247 : i32 to index
        %swap3A_440 = tpu.vector_load %arg8[%swap3A_438, %swap3A_439] {strides = array<i32>} : memref<32x512xf32, #tpu.memory_space<vmem>>, vector<16xf32>,
        tpu.vector_store %arg8[%swap3A_438, %swap3A_439], %gather3A_436 {strides = array<i32>} : memref<32x512xf32, #tpu.memory_space<vmem>>, vector<16xf32>,
        %add3A_441 = arith.constant 23 : i32
        %add3A_442 = vector.broadcast %add3A_441 : i32 to vector<16xi32>
        %add3A_443 = arith.addi %shift_left3A_257, %add3A_442 : vector<16xi32>
        %gather3A_444 = tpu.vector_load_idx %arg7[%add3A_251, %add3A_443] : memref<128x128xf32, #tpu.memory_space<vmem>>[vector<16xi32>, vector<16xi32>], vector<16xf32>,
        %swap3A_445 = arith.constant 23 : i32
        %swap3A_446 = arith.index_cast %swap3A_445 : i32 to index
        %swap3A_447 = arith.index_cast %add3A_247 : i32 to index
        %swap3A_448 = tpu.vector_load %arg8[%swap3A_446, %swap3A_447] {strides = array<i32>} : memref<32x512xf32, #tpu.memory_space<vmem>>, vector<16xf32>,
        tpu.vector_store %arg8[%swap3A_446, %swap3A_447], %gather3A_444 {strides = array<i32>} : memref<32x512xf32, #tpu.memory_space<vmem>>, vector<16xf32>,
        %add3A_449 = arith.constant 24 : i32
        %add3A_450 = vector.broadcast %add3A_449 : i32 to vector<16xi32>
        %add3A_451 = arith.addi %shift_left3A_257, %add3A_450 : vector<16xi32>
        %gather3A_452 = tpu.vector_load_idx %arg7[%add3A_251, %add3A_451] : memref<128x128xf32, #tpu.memory_space<vmem>>[vector<16xi32>, vector<16xi32>], vector<16xf32>,
        %swap3A_453 = arith.constant 24 : i32
        %swap3A_454 = arith.index_cast %swap3A_453 : i32 to index
        %swap3A_455 = arith.index_cast %add3A_247 : i32 to index
        %swap3A_456 = tpu.vector_load %arg8[%swap3A_454, %swap3A_455] {strides = array<i32>} : memref<32x512xf32, #tpu.memory_space<vmem>>, vector<16xf32>,
        tpu.vector_store %arg8[%swap3A_454, %swap3A_455], %gather3A_452 {strides = array<i32>} : memref<32x512xf32, #tpu.memory_space<vmem>>, vector<16xf32>,
        %add3A_457 = arith.constant 25 : i32
        %add3A_458 = vector.broadcast %add3A_457 : i32 to vector<16xi32>
        %add3A_459 = arith.addi %shift_left3A_257, %add3A_458 : vector<16xi32>
        %gather3A_460 = tpu.vector_load_idx %arg7[%add3A_251, %add3A_459] : memref<128x128xf32, #tpu.memory_space<vmem>>[vector<16xi32>, vector<16xi32>], vector<16xf32>,
        %swap3A_461 = arith.constant 25 : i32
        %swap3A_462 = arith.index_cast %swap3A_461 : i32 to index
        %swap3A_463 = arith.index_cast %add3A_247 : i32 to index
        %swap3A_464 = tpu.vector_load %arg8[%swap3A_462, %swap3A_463] {strides = array<i32>} : memref<32x512xf32, #tpu.memory_space<vmem>>, vector<16xf32>,
        tpu.vector_store %arg8[%swap3A_462, %swap3A_463], %gather3A_460 {strides = array<i32>} : memref<32x512xf32, #tpu.memory_space<vmem>>, vector<16xf32>,
        %add3A_465 = arith.constant 26 : i32
        %add3A_466 = vector.broadcast %add3A_465 : i32 to vector<16xi32>
        %add3A_467 = arith.addi %shift_left3A_257, %add3A_466 : vector<16xi32>
        %gather3A_468 = tpu.vector_load_idx %arg7[%add3A_251, %add3A_467] : memref<128x128xf32, #tpu.memory_space<vmem>>[vector<16xi32>, vector<16xi32>], vector<16xf32>,
        %swap3A_469 = arith.constant 26 : i32
        %swap3A_470 = arith.index_cast %swap3A_469 : i32 to index
        %swap3A_471 = arith.index_cast %add3A_247 : i32 to index
        %swap3A_472 = tpu.vector_load %arg8[%swap3A_470, %swap3A_471] {strides = array<i32>} : memref<32x512xf32, #tpu.memory_space<vmem>>, vector<16xf32>,
        tpu.vector_store %arg8[%swap3A_470, %swap3A_471], %gather3A_468 {strides = array<i32>} : memref<32x512xf32, #tpu.memory_space<vmem>>, vector<16xf32>,
        %add3A_473 = arith.constant 27 : i32
        %add3A_474 = vector.broadcast %add3A_473 : i32 to vector<16xi32>
        %add3A_475 = arith.addi %shift_left3A_257, %add3A_474 : vector<16xi32>
        %gather3A_476 = tpu.vector_load_idx %arg7[%add3A_251, %add3A_475] : memref<128x128xf32, #tpu.memory_space<vmem>>[vector<16xi32>, vector<16xi32>], vector<16xf32>,
        %swap3A_477 = arith.constant 27 : i32
        %swap3A_478 = arith.index_cast %swap3A_477 : i32 to index
        %swap3A_479 = arith.index_cast %add3A_247 : i32 to index
        %swap3A_480 = tpu.vector_load %arg8[%swap3A_478, %swap3A_479] {strides = array<i32>} : memref<32x512xf32, #tpu.memory_space<vmem>>, vector<16xf32>,
        tpu.vector_store %arg8[%swap3A_478, %swap3A_479], %gather3A_476 {strides = array<i32>} : memref<32x512xf32, #tpu.memory_space<vmem>>, vector<16xf32>,
        %add3A_481 = arith.constant 28 : i32
        %add3A_482 = vector.broadcast %add3A_481 : i32 to vector<16xi32>
        %add3A_483 = arith.addi %shift_left3A_257, %add3A_482 : vector<16xi32>
        %gather3A_484 = tpu.vector_load_idx %arg7[%add3A_251, %add3A_483] : memref<128x128xf32, #tpu.memory_space<vmem>>[vector<16xi32>, vector<16xi32>], vector<16xf32>,
        %swap3A_485 = arith.constant 28 : i32
        %swap3A_486 = arith.index_cast %swap3A_485 : i32 to index
        %swap3A_487 = arith.index_cast %add3A_247 : i32 to index
        %swap3A_488 = tpu.vector_load %arg8[%swap3A_486, %swap3A_487] {strides = array<i32>} : memref<32x512xf32, #tpu.memory_space<vmem>>, vector<16xf32>,
        tpu.vector_store %arg8[%swap3A_486, %swap3A_487], %gather3A_484 {strides = array<i32>} : memref<32x512xf32, #tpu.memory_space<vmem>>, vector<16xf32>,
        %add3A_489 = arith.constant 29 : i32
        %add3A_490 = vector.broadcast %add3A_489 : i32 to vector<16xi32>
        %add3A_491 = arith.addi %shift_left3A_257, %add3A_490 : vector<16xi32>
        %gather3A_492 = tpu.vector_load_idx %arg7[%add3A_251, %add3A_491] : memref<128x128xf32, #tpu.memory_space<vmem>>[vector<16xi32>, vector<16xi32>], vector<16xf32>,
        %swap3A_493 = arith.constant 29 : i32
        %swap3A_494 = arith.index_cast %swap3A_493 : i32 to index
        %swap3A_495 = arith.index_cast %add3A_247 : i32 to index
        %swap3A_496 = tpu.vector_load %arg8[%swap3A_494, %swap3A_495] {strides = array<i32>} : memref<32x512xf32, #tpu.memory_space<vmem>>, vector<16xf32>,
        tpu.vector_store %arg8[%swap3A_494, %swap3A_495], %gather3A_492 {strides = array<i32>} : memref<32x512xf32, #tpu.memory_space<vmem>>, vector<16xf32>,
        %add3A_497 = arith.constant 30 : i32
        %add3A_498 = vector.broadcast %add3A_497 : i32 to vector<16xi32>
        %add3A_499 = arith.addi %shift_left3A_257, %add3A_498 : vector<16xi32>
        %gather3A_500 = tpu.vector_load_idx %arg7[%add3A_251, %add3A_499] : memref<128x128xf32, #tpu.memory_space<vmem>>[vector<16xi32>, vector<16xi32>], vector<16xf32>,
        %swap3A_501 = arith.constant 30 : i32
        %swap3A_502 = arith.index_cast %swap3A_501 : i32 to index
        %swap3A_503 = arith.index_cast %add3A_247 : i32 to index
        %swap3A_504 = tpu.vector_load %arg8[%swap3A_502, %swap3A_503] {strides = array<i32>} : memref<32x512xf32, #tpu.memory_space<vmem>>, vector<16xf32>,
        tpu.vector_store %arg8[%swap3A_502, %swap3A_503], %gather3A_500 {strides = array<i32>} : memref<32x512xf32, #tpu.memory_space<vmem>>, vector<16xf32>,
        %add3A_505 = arith.constant 31 : i32
        %add3A_506 = vector.broadcast %add3A_505 : i32 to vector<16xi32>
        %add3A_507 = arith.addi %shift_left3A_257, %add3A_506 : vector<16xi32>
        %gather3A_508 = tpu.vector_load_idx %arg7[%add3A_251, %add3A_507] : memref<128x128xf32, #tpu.memory_space<vmem>>[vector<16xi32>, vector<16xi32>], vector<16xf32>,
        %swap3A_509 = arith.constant 31 : i32
        %swap3A_510 = arith.index_cast %swap3A_509 : i32 to index
        %swap3A_511 = arith.index_cast %add3A_247 : i32 to index
        %swap3A_512 = tpu.vector_load %arg8[%swap3A_510, %swap3A_511] {strides = array<i32>} : memref<32x512xf32, #tpu.memory_space<vmem>>, vector<16xf32>,
        tpu.vector_store %arg8[%swap3A_510, %swap3A_511], %gather3A_508 {strides = array<i32>} : memref<32x512xf32, #tpu.memory_space<vmem>>, vector<16xf32>,
      }
      %scan3A_243 = arith.constant 8 : i32
    }
    %scan3A_228 = arith.constant 4 : i32
    "tpu.region"() ({
      %run_scoped3A = tpu.sem_alloc : memref<!tpu.dma_semaphore, #tpu.memory_space<semaphore_mem>>
      %dma_start3A = arith.constant 0 : i32
      %dma_start3A_229 = tpu.memref_slice %arg4[%dma_start3A, %mul3A_2] : memref<32x16384xf32, #tpu.memory_space<hbm>> -> memref<32x512xf32, #tpu.memory_space<hbm>>
      %dma_start3A_230 = arith.constant 0 : i32
      %dma_start3A_231 = tpu.memref_slice %arg4[%dma_start3A_230, %mul3A_2] : memref<32x16384xf32, #tpu.memory_space<hbm>> -> memref<32x512xf32, #tpu.memory_space<hbm>>
      tpu.enqueue_dma source(%arg8 : memref<32x512xf32, #tpu.memory_space<vmem>>) target(%dma_start3A_231 : memref<32x512xf32, #tpu.memory_space<hbm>>) target_semaphore(%run_scoped3A : memref<!tpu.dma_semaphore, #tpu.memory_space<semaphore_mem>>)
      %dma_wait3A = arith.constant 0 : i32
      %dma_wait3A_232 = tpu.memref_slice %arg4[%dma_wait3A, %mul3A_2] : memref<32x16384xf32, #tpu.memory_space<hbm>> -> memref<32x512xf32, #tpu.memory_space<hbm>>
      %dma_wait3A_233 = arith.constant 0 : i32
      %dma_wait3A_234 = tpu.memref_slice %arg4[%dma_wait3A_233, %mul3A_2] : memref<32x16384xf32, #tpu.memory_space<hbm>> -> memref<32x512xf32, #tpu.memory_space<hbm>>
      tpu.wait_dma2 semaphore(%run_scoped3A : memref<!tpu.dma_semaphore, #tpu.memory_space<semaphore_mem>>) src(%arg8 : memref<32x512xf32, #tpu.memory_space<vmem>>) dst(%dma_wait3A_234 : memref<32x512xf32, #tpu.memory_space<hbm>>)
      tpu.yield
    }) : () -> ()
    return
  }
}

module attributes {stable_mosaic.version = 14 : i64} {
  func.func @_tc_body(%arg0: i32, %arg1: memref<26x32x1024xf32, #tpu.memory_space<vmem>>, %arg2: memref<32x1024xf32, #tpu.memory_space<vmem>>, %arg3: memref<26x1024xf32, #tpu.memory_space<vmem>>) attributes {dimension_semantics = [#tpu.dimension_semantics<arbitrary>], iteration_bounds = array<i64: 16>, scalar_prefetch = 0 : i64, scratch_operands = 0 : i64, tpu.core_type = #tpu.core_type<tc>, window_params = [{transform_indices = @transform_0, window_bounds = array<i64: 26, 32, 1024>}, {transform_indices = @transform_1, window_bounds = array<i64: 32, 1024>}, {transform_indices = @transform_2, window_bounds = array<i64: 26, 1024>}]} {
    %get3A = arith.constant 0 : index
    %get3A_0 = arith.constant 0 : index
    %get3A_1 = arith.constant 0 : index
    %get3A_2 = vector.load %arg1[%get3A, %get3A_0, %get3A_1] : memref<26x32x1024xf32, #tpu.memory_space<vmem>>, vector<26x32x1024xf32>
    %get3A_3 = arith.constant 0 : index
    %get3A_4 = arith.constant 0 : index
    %get3A_5 = vector.load %arg2[%get3A_3, %get3A_4] : memref<32x1024xf32, #tpu.memory_space<vmem>>, vector<32x1024xf32>
    %broadcast_in_dim3A = vector.shape_cast %get3A_5 : vector<32x1024xf32> to vector<1x32x1024xf32>
    %mul3A = vector.broadcast %broadcast_in_dim3A : vector<1x32x1024xf32> to vector<26x32x1024xf32>
    %mul3A_6 = arith.mulf %get3A_2, %mul3A : vector<26x32x1024xf32>
    %reduce_sum3A = arith.constant dense<0.000000e+00> : vector<26x1024xf32>
    %reduce_sum3A_7 = vector.multi_reduction <add>, %mul3A_6, %reduce_sum3A [1] : vector<26x32x1024xf32> to vector<26x1024xf32>
    %swap3A = arith.constant 0 : index
    %swap3A_8 = arith.constant 0 : index
    %swap3A_9 = vector.load %arg3[%swap3A, %swap3A_8] : memref<26x1024xf32, #tpu.memory_space<vmem>>, vector<26x1024xf32>
    tpu.vector_store %arg3[%swap3A, %swap3A_8], %reduce_sum3A_7 {strides = array<i32>} : memref<26x1024xf32, #tpu.memory_space<vmem>>, vector<26x1024xf32>,
    return
  }
  func.func @transform_0(%arg0: i32) -> (i32, i32, i32) {
    %c0_i32 = arith.constant 0 : i32
    %c0_i32_0 = arith.constant 0 : i32
    %c0_i32_1 = arith.constant 0 : i32
    return %c0_i32, %c0_i32_0, %arg0 : i32, i32, i32
  }
  func.func @transform_1(%arg0: i32) -> (i32, i32) {
    %c0_i32 = arith.constant 0 : i32
    %c0_i32_0 = arith.constant 0 : i32
    return %c0_i32, %arg0 : i32, i32
  }
  func.func @transform_2(%arg0: i32) -> (i32, i32) {
    %c0_i32 = arith.constant 0 : i32
    %c0_i32_0 = arith.constant 0 : i32
    return %c0_i32, %arg0 : i32, i32
  }
}

</mosaic_0001>

<sc_bundles>
// kernel: kernel.4.cloned.1.call-start
scs
__scs_entry_jumppad:
0x0: {  	(pc) =	sbr.rel $0x88, $3  }
0x1: {  	(tag) =	ssettag $0x0;
	lr =	simm.s32 $0x1  }
0x2: {  	[smem:$0x3F9E] =	sst lr;
	_ =	strace $0xD0000000  }
0x3: {  	_ = 	snop  }
0x4: {  	_ = 	snop  }
0x5: {  	_ = 	snop  }
0x6: {  	_ = 	snop  }
0x7: {  	_ = 	snop  }
__scs_overlays_trampoline_lowered:
0x8: {  	[smem:$0x3FAD] =	sst s0  }
0x9: {  	[smem:$0x3FAE] =	sst s1  }
0xa: {  	[smem:$0x3FAF] =	sst s2  }
0xb: {  	[smem:$0x3FB0] =	sst s3  }
0xc: {  	[smem:$0x3FB1] =	sst s4  }
0xd: {  	[smem:$0x3FB2] =	sst s5  }
0xe: {  	[smem:$0x3FB3] =	sst s6  }
0xf: {  	[smem:$0x3FB4] =	sst s7  }
0x10: {  	[smem:$0x3FB5] =	sst s8  }
0x11: {  	[smem:$0x3FB6] =	sst s9;
	s0 =	simm.s32 @!p0 $0x0  }
0x12: {  	s1 =	sld [smem:$0x3F9C];
	s0 =	simm.s32 @p0 $0x1  }
0x13: {  	[smem:$0x3FB7] =	sst s0;
	s0 =	simm.s32 @!p1 $0x0  }
0x14: {  	s2 =	sld [smem:$0x3F9B];
	s0 =	simm.s32 @p1 $0x1  }
0x15: {  	[smem:$0x3FB8] =	sst s0;
	s0 =	simm.s32 @!p2 $0x0  }
0x16: {  	s3 =	sld [smem:$0x3FDB];
	s0 =	simm.s32 @p2 $0x1  }
0x17: {  	s4 =	simm.s32 $0x1BF5;
	[smem:$0x3FBA] =	sst s0  }
0x18: {  	s0 =	sld [smem:$0x3F9D];
	_ =	swait.ge [sflag:s4], $0x0  }
0x19: {  	s7 =	sld [smem:$0x3F9E]  }
0x1a: {  	s8 =	sadd.s32 $0xFFFFE003, lr  }
0x1b: {  	s9 =	sadd.s32 $0xFFFFFEF7, lr;
	s5 =	simm.s32 $0xFFFFFFFF;
	p2 =	slt.u32 s8, $0xFFFFF086  }
0x1c: {  	p1 =	slt.u32 s9, $0xF7A;
	s5 =	simm.s32 @!p2 $0x0  }
0x1d: {  	s5 =	simm.s32 @p1 $0x1;
	p0 =	seq.s32 s7, s2  }
0x1e: {  	s7 =	smul.u32 @!p0 $0xF7A, s2;
	p2 =	seq.s32 @!p0 s5, $0x0  }
0x1f: {  	s9 =	smul.u32 $0xF7A, s1;
	s8 =	simm.s32 @!p0 $0x1BF5;
	p2 =	por !p2, p0  }
0x20: {  	[sflag:s8] =	ssyncset.s32 @!p0 $0xFFFFF086;
	s6 =	sadd.s32 @!p0 s3, s7;
	s7 =	simm.s32 @!p0 $0x108  }
0x21: {  	s3 =	sadd.s32 s3, s9;
	s6 =	sadd.s32 @!p0 $0x88, s6;
	s7 =	simm.s32 @p2 $0x1082  }
0x22: {  	[simem:s7], [sflag:s8] =	dma.local @!p0 [hbm:s6], $0xF7A  }
0x23: {  	s9 =	sor.u32 $0xD0000000, s2;
	s6 =	simm.s32 $0x108;
	_ =	swait.ge @!p0 [sflag:s8], $0x0  }
0x24: {  	s3 =	sadd.s32 $0x88, s3;
	s6 =	simm.s32 @!p1 $0x1082;
	[sflag:s4] =	ssyncset.s32 $0xFFFFF086  }
0x25: {  	[simem:s6], [sflag:s4] =	dma.local [hbm:s3], $0xF7A  }
0x26: {  	[smem:$0x3F9E] =	sst s1;
	(tag) =	ssettag s2;
	_ =	strace s9  }
0x27: {  	s1 =	sld [smem:$0x3FAE]  }
0x28: {  	s2 =	sld [smem:$0x3FAF]  }
0x29: {  	s4 =	sld [smem:$0x3FB1]  }
0x2a: {  	p0 =	seq.s32 s5, $0x0;
	s5 =	sld [smem:$0x3FB2]  }
0x2b: {  	s6 =	sld [smem:$0x3FB3]  }
0x2c: {  	s7 =	sld [smem:$0x3FB4]  }
0x2d: {  	s3 =	simm.s32 $0x108;
	s8 =	sld [smem:$0x3FB5]  }
0x2e: {  	s3 =	simm.s32 @!p0 $0x1082;
	s9 =	sld [smem:$0x3FB6]  }
0x2f: {  	lr =	sadd.s32 s0, s3;
	s0 =	sld [smem:$0x3FAD]  }
0x30: {  	s3 =	sld [smem:$0x3FB0]  }
0x31: {  	[smem:$0x3FB9] =	sst s10  }
0x32: {  	s10 =	sld [smem:$0x3FB7];
	_ =	sdelay $0x3  }
0x33: {  	p0 =	seq.s32 s10, $0x1;
	s10 =	sld [smem:$0x3FB9];
	_ =	sdelay $0x3  }
0x34: {  	[smem:$0x3FB9] =	sst s10  }
0x35: {  	s10 =	sld [smem:$0x3FB8];
	_ =	sdelay $0x3  }
0x36: {  	p1 =	seq.s32 s10, $0x1;
	s10 =	sld [smem:$0x3FB9];
	_ =	sdelay $0x3  }
0x37: {  	[smem:$0x3FB9] =	sst s10  }
0x38: {  	s10 =	sld [smem:$0x3FBA]  }
0x39: {  	_ = 	snop;
	(pc) =	sbr.ind lr, $3  }
0x3a: {  	_ = 	snop  }
0x3b: {  	_ = 	snop  }
0x3c: {  	p2 =	seq.s32 s10, $0x1;
	s10 =	sld [smem:$0x3FB9]  }
0x3d: {  	_ =	shalt  }
0x3e: {  	_ =	shalt  }
0x3f: {  	_ =	shalt  }
0x40: {  	_ =	shalt  }
0x41: {  	_ =	shalt  }
0x42: {  	_ =	shalt  }
0x43: {  	_ =	shalt  }
0x44: {  	_ =	shalt  }
0x45: {  	_ =	shalt  }
0x46: {  	_ =	shalt  }
0x47: {  	_ =	shalt  }
0x48: {  	_ =	shalt  }
0x49: {  	_ =	shalt  }
0x4a: {  	_ =	shalt  }
0x4b: {  	_ =	shalt  }
0x4c: {  	_ =	shalt  }
0x4d: {  	_ =	shalt  }
0x4e: {  	_ =	shalt  }
0x4f: {  	_ =	shalt  }
0x50: {  	_ =	shalt  }
0x51: {  	_ =	shalt  }
0x52: {  	_ =	shalt  }
0x53: {  	_ =	shalt  }
0x54: {  	_ =	shalt  }
0x55: {  	_ =	shalt  }
0x56: {  	_ =	shalt  }
0x57: {  	_ =	shalt  }
0x58: {  	_ =	shalt  }
0x59: {  	_ =	shalt  }
0x5a: {  	_ =	shalt  }
0x5b: {  	_ =	shalt  }
0x5c: {  	_ =	shalt  }
0x5d: {  	_ =	shalt  }
0x5e: {  	_ =	shalt  }
0x5f: {  	_ =	shalt  }
0x60: {  	_ =	shalt  }
0x61: {  	_ =	shalt  }
0x62: {  	_ =	shalt  }
0x63: {  	_ =	shalt  }
0x64: {  	_ =	shalt  }
0x65: {  	_ =	shalt  }
0x66: {  	_ =	shalt  }
0x67: {  	_ =	shalt  }
0x68: {  	_ =	shalt  }
0x69: {  	_ =	shalt  }
0x6a: {  	_ =	shalt  }
0x6b: {  	_ =	shalt  }
0x6c: {  	_ =	shalt  }
0x6d: {  	_ =	shalt  }
0x6e: {  	_ =	shalt  }
0x6f: {  	_ =	shalt  }
0x70: {  	_ =	shalt  }
0x71: {  	_ =	shalt  }
0x72: {  	_ =	shalt  }
0x73: {  	_ =	shalt  }
0x74: {  	_ =	shalt  }
0x75: {  	_ =	shalt  }
0x76: {  	_ =	shalt  }
0x77: {  	_ =	shalt  }
0x78: {  	_ =	shalt  }
0x79: {  	_ =	shalt  }
0x7a: {  	_ =	shalt  }
0x7b: {  	_ =	shalt  }
0x7c: {  	_ =	shalt  }
0x7d: {  	_ =	shalt  }
0x7e: {  	_ =	shalt  }
0x7f: {  	_ =	shalt  }
0x80: {  	_ =	shalt  }
0x81: {  	_ =	shalt  }
0x82: {  	_ =	shalt  }
0x83: {  	_ =	shalt  }
0x84: {  	_ =	shalt  }
0x85: {  	_ =	shalt  }
0x86: {  	_ =	shalt  }
0x87: {  	_ =	shalt  }
.Lfunc_end0:
.L_simem_size_0:
called_computation_lowered:
.L_overlay_start_0:
0x88: {  	s2 =	sld [smem:$0x3FD9]  }
0x89: {  	s3 =	sld [smem:$0x3FFE];
	_ =	sdelay $0x1  }
0x8a: {  	s1 =	srdreg.scid  }
0x8b: {  	s0 =	sand.u32 $0x1, s1  }
0x8c: {  	s17 =	sshll.u32 s0, $0xA;
	s2 =	sadd.s32 s3, s2  }
0x8d: {  	s2 =	sadd.s32 s2, s17  }
0x8e: {  	[smem:$0x3FC5] =	sst s2  }
0x8f: {  	_ = 	snop  }
0x90: {  	s2 =	sld [smem:$0x3FC8]  }
0x91: {  	s18 =	sld [smem:$0x3FD0];
	(tm) =	ssettm $0x1  }
0x92: {  	s4 =	sld [smem:$0x3FFB];
	_ =	sdelay $0x3  }
0x93: {  	_ =	strace s4  }
0x94: {  	s4 =	sld [smem:$0x3FFC];
	_ =	sdelay $0x3  }
0x95: {  	_ =	strace s4  }
0x96: {  	s4 =	sld [smem:$0x3FFD];
	_ =	sdelay $0x3  }
0x97: {  	_ =	strace s4  }
0x98: {  	_ =	strace $0x8FFFFFFF  }
0x99: {  	s19 =	sld [smem:$0x3FDB];
	_ =	sdelay $0x1  }
0x9a: {  	s5 =	simm.s32 $_scs_section_size  }
0x9b: {  	s6 =	simm.s32 $_size__tile_overlayer_lowered;
	s7 =	simm.s32 $_tile_overlayer_lowered  }
0x9c: {  	s22 =	simm.s32 $0x1BFF;
	s21 =	sshll.u32 s7, $0x1;
	s4 =	sadd.s32 s5, s19  }
0x9d: {  	s8 =	simm.s32 $0x0;
	s20 =	sshll.u32 s6, $0x1;
	s6 =	sadd.s32 s21, s4  }
0x9e: {  	[timem:s8], [sflag:s22] =	dma.local [hbm:s6], s20  }
0x9f: {  	_ =	swait.ge [sflag:s22], s20  }
0xa0: {  	s5 =	ssub.s32 $0x0, s20;
	[sflag:s22] =	ssyncset.done $0x0  }
0xa1: {  	[sflag:s22] =	ssyncadd.s32 s5;
	_ =	sdelay $0x1  }
0xa2: {  	s23 =	simm.s32 $0x1B8B  }
0xa3: {  	_ =	swait.ge [sflag:s23], $0x1  }
0xa4: {  	[sflag:s23] =	ssyncset.done $0x0  }
0xa5: {  	s25 =	simm.s32 $0x1B8E;
	s24 =	sld [smem:$0x3FFE];
	[sflag:s23] =	ssyncadd.s32 $0xFFFFFFFF  }
0xa6: {  	s26 =	simm.s32 $execute0_lowered;
	[smem:$0x3FD2] =	sst s25  }
0xa7: {  	s6 =	sshll.u32 s26, $0x1;
	_ =	strace $0x80000046;
	[dreg:$0x1] =	wrdreg $0xFFFFFFFF  }
0xa8: {  	s28 =	simm.s32 $_size_execute0_lowered;
	s4 =	sadd.s32 s4, s6;
	[dreg:$0x0] =	wrdreg $0x0  }
0xa9: {  	s6 =	sshll.u32 s28, $0x1;
	[dreg:$0x2] =	wrdreg s4  }
0xaa: {  	[dreg:$0x3] =	wrdreg s6  }
0xab: {  	[dreg:$0x4] =	wrdreg $0xC0  }
0xac: {  	_ =	task [dreg:s8], $0x5FFFF  }
0xad: {  	[dreg:$0x1] =	wrdreg $0xFFFFFFFF  }
0xae: {  	[dreg:$0x0] =	wrdreg $0x60  }
0xaf: {  	[dreg:$0x2] =	wrdreg s24  }
0xb0: {  	[dreg:$0x3] =	wrdreg s2  }
0xb1: {  	[dreg:$0x4] =	wrdreg s18  }
0xb2: {  	[dreg:$0x5] =	wrdreg $0x9  }
0xb3: {  	_ =	task.clear_ibuf [dreg:s8], $0x6FFFF;
	_ =	strace $0x90000046  }
0xb4: {  	s29 =	simm.s32 $0x9;
	_ =	strace $0x80000048  }
0xb5: {  	_ =	swait.ge [sflag:s29], $0x1  }
0xb6: {  	[sflag:s29] =	ssyncadd.s32 $0xFFFFFFFF  }
0xb7: {  	_ =	strace $0x90000048  }
0xb8: {  	_ =	sfence  }
0xb9: {  	s30 =	sld [smem:$0x0];
	_ =	sdelay $0x2  }
0xba: {  	s31 =	sshll.u32 s1, $0xD;
	s1 =	sshrl.u32 s1, $0x2  }
0xbb: {  	s3 =	sand.u32 $0x4000, s31;
	s1 =	sadd.s32 s1, s30  }
0xbc: {  	s0 =	sor.u32 s3, s0;
	s1 =	sshll.u32 s1, $0x11  }
0xbd: {  	s0 =	sor.u32 s1, s0  }
0xbe: {  	s0 =	sadd.s32 $0x8F2B, s0  }
0xbf: {  	[sflag:s0] =	ssyncadd.remote.s32 $0x1  }
0xc0: {  	_ =	sfence.sel $0xFFFF  }
0xc1: {  	[dreg:$0x0] =	wrdreg $0xFFFFFFFF;
	(pc) =	sbr.abs _section_cstart, $3  }
0xc2: {  	[dreg:$0x1] =	wrdreg $0xFFFFFFFF  }
0xc3: {  	_ =	task.clear_ibuf [dreg:s8], $0x2FFFF;
	_ =	strace $0x9FFFFFFF  }
0xc4: {  	(tm) =	ssettm $0x7FFFFFFF  }
0xc5: {  	_ =	shalt  }
tec
execute0_lowered:
.L_overlay_start_1:
0x0: {  	(tag) =	ssettag $0x1  }
0x1: {  	s3 =	rddreg [dreg:$0x0]  }
0x2: {  	s4 =	rddreg [dreg:$0x1]  }
0x3: {  	s5 =	rddreg [dreg:$0x2]  }
0x4: {  	s0 =	rddreg [dreg:$0x3];
	s6 =	srdreg.scid  }
0x5: {  	s2 =	simm.s32 $0x0;
	s1 =	stileid.u32;
	s10 =	simm.s32 $0x1  }
0x6: {  	s11 =	simm.s32 $0x1000;
	s12 =	simm.s32 $0x20000;
	s13 =	simm.s32 $0x4400  }
0x7: {  	s14 =	simm.s32 $0x0;
	s6 =	sand.u32 $0x1, s6;
	[smem:$0x7FF] =	sst s2  }
0x8: {  	s7 =	sshll.u32 s1, $0xA;
	s3 =	sadd.s32 $0xF42A00, s3;
	s8 =	sshll.u32 s6, $0x9  }
0x9: {  	_ =	strace $0x80000047;
	s6 =	ssub.s32 $0x2, s6;
	s7 =	sor.u32 s8, s7  }
0xa: {  	s31 =	sshrl.u32 s6, $0x1;
	s8 =	simm.s32 $0x80;
	s9 =	sshrl.u32 s7, $0x3  }
0xb: {  	v0 =	vlaneseq.u32;
	s6 =	ssub.s32 s6, s31;
	s5 =	sadd.s32 s5, s7;
	s7 =	simm.s32 $0x2  }
0xc: {  	v0 =	vmul.u32 $0x80, v0;
	s4 =	sadd.s32 s4, s9;
	s6 =	smax.u32 s6, $0x1;
	s9 =	simm.s32 $0x400  }
.LBB2_1:
0xd: {  	[tilespmem:s2], [sflag:$0x2] =	stream.linear.gather [hbm4b:s4+s2], $0x200, $0x38;
	[tilespmem:$0x8400] =	vst v63  }
0xe: {  	_ =	swait.ge [sflag:s7], $0x200  }
0xf: {  	[sflag:s7] =	ssyncset.done $0x0  }
0x10: {  	[sflag:s7] =	ssyncadd.s32 $0xFFFFFE00  }
0x11: {  	v1 =	vld [tilespmem:$0x0]  }
0x12: {  	v2 =	vld [tilespmem:$0x10]  }
0x13: {  	v3 =	vld [tilespmem:$0x20]  }
0x14: {  	v4 =	vld [tilespmem:$0x30]  }
0x15: {  	v5 =	vld [tilespmem:$0x40]  }
0x16: {  	v6 =	vld [tilespmem:$0x50];
	v1 =	vshrl.u32 v1, $0x2  }
0x17: {  	[tilespmem:$0x200] =	vst v1;
	v1 =	vshrl.u32 v2, $0x2;
	v2 =	vld [tilespmem:$0x60]  }
0x18: {  	[tilespmem:$0x210] =	vst v1;
	v1 =	vshrl.u32 v3, $0x2;
	v3 =	vld [tilespmem:$0x70]  }
0x19: {  	v49 =	vld [tilespmem:$0x80];
	[tilespmem:$0x220] =	vst v1;
	v1 =	vshrl.u32 v4, $0x2  }
0x1a: {  	v50 =	vld [tilespmem:$0x90];
	[tilespmem:$0x230] =	vst v1;
	v1 =	vshrl.u32 v5, $0x2  }
0x1b: {  	v51 =	vld [tilespmem:$0xA0];
	[tilespmem:$0x240] =	vst v1;
	v1 =	vshrl.u32 v6, $0x2  }
0x1c: {  	[tilespmem:$0x250] =	vst v1;
	v1 =	vshrl.u32 v2, $0x2;
	v2 =	vld [tilespmem:$0xB0]  }
0x1d: {  	[tilespmem:$0x260] =	vst v1;
	v1 =	vshrl.u32 v3, $0x2;
	v3 =	vld [tilespmem:$0xC0]  }
0x1e: {  	v52 =	vld [tilespmem:$0xD0];
	[tilespmem:$0x270] =	vst v1;
	v1 =	vshrl.u32 v49, $0x2  }
0x1f: {  	v53 =	vld [tilespmem:$0xE0];
	[tilespmem:$0x280] =	vst v1;
	v1 =	vshrl.u32 v50, $0x2  }
0x20: {  	v54 =	vld [tilespmem:$0xF0];
	[tilespmem:$0x290] =	vst v1;
	v1 =	vshrl.u32 v51, $0x2  }
0x21: {  	[tilespmem:$0x2A0] =	vst v1;
	v1 =	vshrl.u32 v2, $0x2;
	v2 =	vld [tilespmem:$0x100]  }
0x22: {  	[tilespmem:$0x2B0] =	vst v1;
	v1 =	vshrl.u32 v3, $0x2;
	v3 =	vld [tilespmem:$0x110]  }
0x23: {  	v55 =	vld [tilespmem:$0x120];
	[tilespmem:$0x2C0] =	vst v1;
	v1 =	vshrl.u32 v52, $0x2  }
0x24: {  	v56 =	vld [tilespmem:$0x130];
	[tilespmem:$0x2D0] =	vst v1;
	v1 =	vshrl.u32 v53, $0x2  }
0x25: {  	v57 =	vld [tilespmem:$0x140];
	[tilespmem:$0x2E0] =	vst v1;
	v1 =	vshrl.u32 v54, $0x2  }
0x26: {  	[tilespmem:$0x2F0] =	vst v1;
	v1 =	vshrl.u32 v2, $0x2;
	v2 =	vld [tilespmem:$0x150]  }
0x27: {  	[tilespmem:$0x300] =	vst v1;
	v1 =	vshrl.u32 v3, $0x2;
	v3 =	vld [tilespmem:$0x160]  }
0x28: {  	v58 =	vld [tilespmem:$0x170];
	[tilespmem:$0x310] =	vst v1;
	v1 =	vshrl.u32 v55, $0x2  }
0x29: {  	v59 =	vld [tilespmem:$0x180];
	[tilespmem:$0x320] =	vst v1;
	v1 =	vshrl.u32 v56, $0x2  }
0x2a: {  	v60 =	vld [tilespmem:$0x190];
	[tilespmem:$0x330] =	vst v1;
	v1 =	vshrl.u32 v57, $0x2  }
0x2b: {  	[tilespmem:$0x340] =	vst v1;
	v1 =	vshrl.u32 v2, $0x2;
	v2 =	vld [tilespmem:$0x1A0]  }
0x2c: {  	[tilespmem:$0x350] =	vst v1;
	v1 =	vshrl.u32 v3, $0x2;
	v3 =	vld [tilespmem:$0x1B0]  }
0x2d: {  	v61 =	vld [tilespmem:$0x1C0];
	[tilespmem:$0x360] =	vst v1;
	v1 =	vshrl.u32 v58, $0x2  }
0x2e: {  	v62 =	vld [tilespmem:$0x1D0];
	[tilespmem:$0x370] =	vst v1;
	v1 =	vshrl.u32 v59, $0x2  }
0x2f: {  	v63 =	vld [tilespmem:$0x1E0];
	[tilespmem:$0x380] =	vst v1;
	v1 =	vshrl.u32 v60, $0x2  }
0x30: {  	[tilespmem:$0x390] =	vst v1;
	v1 =	vshrl.u32 v2, $0x2;
	v2 =	vld [tilespmem:$0x1F0]  }
0x31: {  	[tilespmem:$0x3A0] =	vst v1;
	v1 =	vshrl.u32 v3, $0x2  }
0x32: {  	[tilespmem:$0x3B0] =	vst v1;
	v1 =	vshrl.u32 v61, $0x2  }
0x33: {  	[tilespmem:$0x3C0] =	vst v1;
	v1 =	vshrl.u32 v62, $0x2  }
0x34: {  	[tilespmem:$0x3D0] =	vst v1;
	v1 =	vshrl.u32 v63, $0x2  }
0x35: {  	[tilespmem:$0x3E0] =	vst v1;
	v1 =	vshrl.u32 v2, $0x2  }
0x36: {  	s15 =	simm.s32 $0x6400;
	s16 =	simm.s32 $0x0;
	s17 =	simm.s32 $0x0;
	[tilespmem:$0x3F0] =	vst v1  }
.LBB2_2:
0x37: {  	s18 =	sshll.u32 s17, $0x7  }
0x38: {  	s18 =	sand.u32 $0x3FFFFF80, s18  }
0x39: {  	s18 =	sadd.s32 $0x200, s18  }
0x3a: {  	[tilespmem:s9], [sflag:$0x1] =	stream.indirect.gather [hbm4b:s3+s8], $0x80, s18, s8, $0xb8;
	[tilespmem:$0x8400] =	vst v63  }
0x3b: {  	_ =	swait.ge [sflag:s10], $0x4000  }
0x3c: {  	[sflag:s10] =	ssyncset.done $0x0  }
0x3d: {  	[sflag:s10] =	ssyncadd.s32 $0xFFFFC000  }
0x3e: {  	v1 =	vld [tilespmem:s16+$0x0];
	_ =	sdelay $0x2  }
0x3f: {  	s31 =	simm.s32 $0x0  }
0x40: {  	v2 =	vmov s31  }
0x41: {  	v2 =	vshll.u32 v2, $0x7;
	v1 =	vshll.u32 v1, $0x5  }
0x42: {  	v2 =	vor.u32 v0, v2;
	v1 =	vand.u32 $0x60, v1  }
0x43: {  	v1 =	vor.u32 v2, v1;
	_ =	sdelay $0x4  }
0x44: {  	v2 =	vld.idx.msk [tilespmem:v1+s9+$0x0], $0xffff  }
0x45: {  	v3 =	vor.u32 $0x1, v1;
	_ =	sdelay $0x3  }
0x46: {  	[tilespmem:s15+$0xFFFFE000] =	vst v2  }
0x47: {  	v2 =	vld.idx.msk [tilespmem:v3+s9+$0x0], $0xffff  }
0x48: {  	v3 =	vor.u32 $0x2, v1;
	_ =	sdelay $0x3  }
0x49: {  	[tilespmem:s15+$0xFFFFE080] =	vst v2  }
0x4a: {  	v2 =	vld.idx.msk [tilespmem:v3+s9+$0x0], $0xffff  }
0x4b: {  	v3 =	vor.u32 $0x3, v1;
	_ =	sdelay $0x3  }
0x4c: {  	[tilespmem:s15+$0xFFFFE100] =	vst v2  }
0x4d: {  	v2 =	vld.idx.msk [tilespmem:v3+s9+$0x0], $0xffff  }
0x4e: {  	v3 =	vor.u32 $0x4, v1;
	_ =	sdelay $0x3  }
0x4f: {  	[tilespmem:s15+$0xFFFFE180] =	vst v2  }
0x50: {  	v2 =	vld.idx.msk [tilespmem:v3+s9+$0x0], $0xffff  }
0x51: {  	v3 =	vor.u32 $0x5, v1;
	_ =	sdelay $0x3  }
0x52: {  	[tilespmem:s15+$0xFFFFE200] =	vst v2  }
0x53: {  	v2 =	vld.idx.msk [tilespmem:v3+s9+$0x0], $0xffff  }
0x54: {  	v3 =	vor.u32 $0x6, v1;
	_ =	sdelay $0x3  }
0x55: {  	[tilespmem:s15+$0xFFFFE280] =	vst v2  }
0x56: {  	v2 =	vld.idx.msk [tilespmem:v3+s9+$0x0], $0xffff  }
0x57: {  	v3 =	vor.u32 $0x7, v1;
	_ =	sdelay $0x3  }
0x58: {  	[tilespmem:s15+$0xFFFFE300] =	vst v2  }
0x59: {  	v2 =	vld.idx.msk [tilespmem:v3+s9+$0x0], $0xffff  }
0x5a: {  	v3 =	vor.u32 $0x8, v1;
	_ =	sdelay $0x3  }
0x5b: {  	[tilespmem:s15+$0xFFFFE380] =	vst v2  }
0x5c: {  	v2 =	vld.idx.msk [tilespmem:v3+s9+$0x0], $0xffff  }
0x5d: {  	v3 =	vor.u32 $0x9, v1;
	_ =	sdelay $0x3  }
0x5e: {  	[tilespmem:s15+$0xFFFFF000] =	vst v2  }
0x5f: {  	v2 =	vld.idx.msk [tilespmem:v3+s9+$0x0], $0xffff  }
0x60: {  	v3 =	vor.u32 $0xA, v1;
	_ =	sdelay $0x3  }
0x61: {  	[tilespmem:s15+$0xFFFFF080] =	vst v2  }
0x62: {  	v2 =	vld.idx.msk [tilespmem:v3+s9+$0x0], $0xffff  }
0x63: {  	v3 =	vor.u32 $0xB, v1;
	_ =	sdelay $0x3  }
0x64: {  	[tilespmem:s15+$0xFFFFF100] =	vst v2  }
0x65: {  	v2 =	vld.idx.msk [tilespmem:v3+s9+$0x0], $0xffff  }
0x66: {  	v3 =	vor.u32 $0xC, v1;
	_ =	sdelay $0x3  }
0x67: {  	[tilespmem:s15+$0xFFFFF180] =	vst v2  }
0x68: {  	v2 =	vld.idx.msk [tilespmem:v3+s9+$0x0], $0xffff  }
0x69: {  	v3 =	vor.u32 $0xD, v1;
	_ =	sdelay $0x3  }
0x6a: {  	[tilespmem:s15+$0xFFFFF200] =	vst v2  }
0x6b: {  	v2 =	vld.idx.msk [tilespmem:v3+s9+$0x0], $0xffff  }
0x6c: {  	v3 =	vor.u32 $0xE, v1;
	_ =	sdelay $0x3  }
0x6d: {  	[tilespmem:s15+$0xFFFFF280] =	vst v2  }
0x6e: {  	v2 =	vld.idx.msk [tilespmem:v3+s9+$0x0], $0xffff  }
0x6f: {  	v3 =	vor.u32 $0xF, v1;
	_ =	sdelay $0x3  }
0x70: {  	[tilespmem:s15+$0xFFFFF300] =	vst v2  }
0x71: {  	v2 =	vld.idx.msk [tilespmem:v3+s9+$0x0], $0xffff  }
0x72: {  	v3 =	vor.u32 $0x10, v1;
	_ =	sdelay $0x3  }
0x73: {  	[tilespmem:s15+$0xFFFFF380] =	vst v2  }
0x74: {  	v2 =	vld.idx.msk [tilespmem:v3+s9+$0x0], $0xffff  }
0x75: {  	v3 =	vor.u32 $0x11, v1;
	_ =	sdelay $0x3  }
0x76: {  	[tilespmem:s15+$0x0] =	vst v2  }
0x77: {  	v2 =	vld.idx.msk [tilespmem:v3+s9+$0x0], $0xffff  }
0x78: {  	v3 =	vor.u32 $0x12, v1;
	_ =	sdelay $0x3  }
0x79: {  	[tilespmem:s15+$0x80] =	vst v2  }
0x7a: {  	v2 =	vld.idx.msk [tilespmem:v3+s9+$0x0], $0xffff  }
0x7b: {  	v3 =	vor.u32 $0x13, v1;
	_ =	sdelay $0x3  }
0x7c: {  	[tilespmem:s15+$0x100] =	vst v2  }
0x7d: {  	v2 =	vld.idx.msk [tilespmem:v3+s9+$0x0], $0xffff  }
0x7e: {  	v3 =	vor.u32 $0x14, v1;
	_ =	sdelay $0x3  }
0x7f: {  	[tilespmem:s15+$0x180] =	vst v2  }
0x80: {  	v2 =	vld.idx.msk [tilespmem:v3+s9+$0x0], $0xffff  }
0x81: {  	v3 =	vor.u32 $0x15, v1;
	_ =	sdelay $0x3  }
0x82: {  	[tilespmem:s15+$0x200] =	vst v2  }
0x83: {  	v2 =	vld.idx.msk [tilespmem:v3+s9+$0x0], $0xffff  }
0x84: {  	v3 =	vor.u32 $0x16, v1;
	_ =	sdelay $0x3  }
0x85: {  	[tilespmem:s15+$0x280] =	vst v2  }
0x86: {  	v2 =	vld.idx.msk [tilespmem:v3+s9+$0x0], $0xffff  }
0x87: {  	v3 =	vor.u32 $0x17, v1;
	_ =	sdelay $0x3  }
0x88: {  	[tilespmem:s15+$0x300] =	vst v2  }
0x89: {  	v2 =	vld.idx.msk [tilespmem:v3+s9+$0x0], $0xffff  }
0x8a: {  	v3 =	vor.u32 $0x18, v1;
	_ =	sdelay $0x3  }
0x8b: {  	[tilespmem:s15+$0x380] =	vst v2  }
0x8c: {  	v2 =	vld.idx.msk [tilespmem:v3+s9+$0x0], $0xffff  }
0x8d: {  	v3 =	vor.u32 $0x19, v1;
	_ =	sdelay $0x3  }
0x8e: {  	[tilespmem:s15+$0x1000] =	vst v2  }
0x8f: {  	v2 =	vld.idx.msk [tilespmem:v3+s9+$0x0], $0xffff  }
0x90: {  	v3 =	vor.u32 $0x1A, v1;
	_ =	sdelay $0x3  }
0x91: {  	[tilespmem:s15+$0x1080] =	vst v2  }
0x92: {  	v2 =	vld.idx.msk [tilespmem:v3+s9+$0x0], $0xffff  }
0x93: {  	v3 =	vor.u32 $0x1B, v1;
	_ =	sdelay $0x3  }
0x94: {  	[tilespmem:s15+$0x1100] =	vst v2  }
0x95: {  	v2 =	vld.idx.msk [tilespmem:v3+s9+$0x0], $0xffff  }
0x96: {  	v3 =	vor.u32 $0x1C, v1;
	_ =	sdelay $0x3  }
0x97: {  	[tilespmem:s15+$0x1180] =	vst v2  }
0x98: {  	v2 =	vld.idx.msk [tilespmem:v3+s9+$0x0], $0xffff  }
0x99: {  	v3 =	vor.u32 $0x1D, v1;
	_ =	sdelay $0x3  }
0x9a: {  	[tilespmem:s15+$0x1200] =	vst v2  }
0x9b: {  	v2 =	vld.idx.msk [tilespmem:v3+s9+$0x0], $0xffff  }
0x9c: {  	v3 =	vor.u32 $0x1E, v1;
	_ =	sdelay $0x3  }
0x9d: {  	[tilespmem:s15+$0x1280] =	vst v2  }
0x9e: {  	v2 =	vld.idx.msk [tilespmem:v3+s9+$0x0], $0xffff  }
0x9f: {  	v1 =	vor.u32 $0x1F, v1;
	_ =	sdelay $0x3  }
0xa0: {  	[tilespmem:s15+$0x1300] =	vst v2  }
0xa1: {  	s19 =	simm.s32 $0x10;
	s20 =	smov.u32 s16;
	s18 =	smov.u32 s15;
	v1 =	vld.idx.msk [tilespmem:v1+s9+$0x0], $0xffff  }
.LBB2_3:
0xa2: {  	_ =	sdelay $0x3  }
0xa3: {  	p0 =	sne.s32 s19, $0x70;
	s20 =	sadd.s32 $0x10, s20;
	[tilespmem:s18+$0x1380] =	vst v1;
	s18 =	sadd.s32 $0x10, s18  }
0xa4: {  	s21 =	smov.u32 s19;
	s19 =	sadd.s32 $0x10, s19;
	v1 =	vld [tilespmem:s20+$0x0];
	_ =	sdelay $0x3  }
0xa5: {  	v2 =	vmov s21  }
0xa6: {  	v2 =	vshll.u32 v2, $0x7;
	v1 =	vshll.u32 v1, $0x5  }
0xa7: {  	v2 =	vor.u32 v0, v2;
	v1 =	vand.u32 $0x60, v1  }
0xa8: {  	v1 =	vor.u32 v2, v1;
	_ =	sdelay $0x4  }
0xa9: {  	v2 =	vld.idx.msk [tilespmem:v1+s9+$0x0], $0xffff;
	_ =	sdelay $0x1  }
0xaa: {  	v3 =	vor.u32 $0x1, v1;
	_ =	sdelay $0x3  }
0xab: {  	[tilespmem:s18+$0xFFFFE000] =	vst v2  }
0xac: {  	v2 =	vld.idx.msk [tilespmem:v3+s9+$0x0], $0xffff;
	_ =	sdelay $0x1  }
0xad: {  	v3 =	vor.u32 $0x2, v1;
	_ =	sdelay $0x3  }
0xae: {  	[tilespmem:s18+$0xFFFFE080] =	vst v2  }
0xaf: {  	v2 =	vld.idx.msk [tilespmem:v3+s9+$0x0], $0xffff;
	_ =	sdelay $0x1  }
0xb0: {  	v3 =	vor.u32 $0x3, v1;
	_ =	sdelay $0x3  }
0xb1: {  	[tilespmem:s18+$0xFFFFE100] =	vst v2  }
0xb2: {  	v2 =	vld.idx.msk [tilespmem:v3+s9+$0x0], $0xffff;
	_ =	sdelay $0x1  }
0xb3: {  	v3 =	vor.u32 $0x4, v1;
	_ =	sdelay $0x3  }
0xb4: {  	[tilespmem:s18+$0xFFFFE180] =	vst v2  }
0xb5: {  	v2 =	vld.idx.msk [tilespmem:v3+s9+$0x0], $0xffff;
	_ =	sdelay $0x1  }
0xb6: {  	v3 =	vor.u32 $0x5, v1;
	_ =	sdelay $0x3  }
0xb7: {  	[tilespmem:s18+$0xFFFFE200] =	vst v2  }
0xb8: {  	v2 =	vld.idx.msk [tilespmem:v3+s9+$0x0], $0xffff;
	_ =	sdelay $0x1  }
0xb9: {  	v3 =	vor.u32 $0x6, v1;
	_ =	sdelay $0x3  }
0xba: {  	[tilespmem:s18+$0xFFFFE280] =	vst v2  }
0xbb: {  	v2 =	vld.idx.msk [tilespmem:v3+s9+$0x0], $0xffff;
	_ =	sdelay $0x1  }
0xbc: {  	v3 =	vor.u32 $0x7, v1;
	_ =	sdelay $0x3  }
0xbd: {  	[tilespmem:s18+$0xFFFFE300] =	vst v2  }
0xbe: {  	v2 =	vld.idx.msk [tilespmem:v3+s9+$0x0], $0xffff;
	_ =	sdelay $0x1  }
0xbf: {  	v3 =	vor.u32 $0x8, v1;
	_ =	sdelay $0x3  }
0xc0: {  	[tilespmem:s18+$0xFFFFE380] =	vst v2  }
0xc1: {  	v2 =	vld.idx.msk [tilespmem:v3+s9+$0x0], $0xffff;
	_ =	sdelay $0x1  }
0xc2: {  	v3 =	vor.u32 $0x9, v1;
	_ =	sdelay $0x3  }
0xc3: {  	[tilespmem:s18+$0xFFFFF000] =	vst v2  }
0xc4: {  	v2 =	vld.idx.msk [tilespmem:v3+s9+$0x0], $0xffff;
	_ =	sdelay $0x1  }
0xc5: {  	v3 =	vor.u32 $0xA, v1;
	_ =	sdelay $0x3  }
0xc6: {  	[tilespmem:s18+$0xFFFFF080] =	vst v2  }
0xc7: {  	v2 =	vld.idx.msk [tilespmem:v3+s9+$0x0], $0xffff;
	_ =	sdelay $0x1  }
0xc8: {  	v3 =	vor.u32 $0xB, v1;
	_ =	sdelay $0x3  }
0xc9: {  	[tilespmem:s18+$0xFFFFF100] =	vst v2  }
0xca: {  	v2 =	vld.idx.msk [tilespmem:v3+s9+$0x0], $0xffff;
	_ =	sdelay $0x1  }
0xcb: {  	v3 =	vor.u32 $0xC, v1;
	_ =	sdelay $0x3  }
0xcc: {  	[tilespmem:s18+$0xFFFFF180] =	vst v2  }
0xcd: {  	v2 =	vld.idx.msk [tilespmem:v3+s9+$0x0], $0xffff;
	_ =	sdelay $0x1  }
0xce: {  	v3 =	vor.u32 $0xD, v1;
	_ =	sdelay $0x3  }
0xcf: {  	[tilespmem:s18+$0xFFFFF200] =	vst v2  }
0xd0: {  	v2 =	vld.idx.msk [tilespmem:v3+s9+$0x0], $0xffff;
	_ =	sdelay $0x1  }
0xd1: {  	v3 =	vor.u32 $0xE, v1;
	_ =	sdelay $0x3  }
0xd2: {  	[tilespmem:s18+$0xFFFFF280] =	vst v2  }
0xd3: {  	v2 =	vld.idx.msk [tilespmem:v3+s9+$0x0], $0xffff;
	_ =	sdelay $0x1  }
0xd4: {  	v3 =	vor.u32 $0xF, v1;
	_ =	sdelay $0x3  }
0xd5: {  	[tilespmem:s18+$0xFFFFF300] =	vst v2  }
0xd6: {  	v2 =	vld.idx.msk [tilespmem:v3+s9+$0x0], $0xffff;
	_ =	sdelay $0x1  }
0xd7: {  	v3 =	vor.u32 $0x10, v1;
	_ =	sdelay $0x3  }
0xd8: {  	[tilespmem:s18+$0xFFFFF380] =	vst v2  }
0xd9: {  	v2 =	vld.idx.msk [tilespmem:v3+s9+$0x0], $0xffff;
	_ =	sdelay $0x1  }
0xda: {  	v3 =	vor.u32 $0x11, v1;
	_ =	sdelay $0x3  }
0xdb: {  	[tilespmem:s18+$0x0] =	vst v2  }
0xdc: {  	v2 =	vld.idx.msk [tilespmem:v3+s9+$0x0], $0xffff;
	_ =	sdelay $0x1  }
0xdd: {  	v3 =	vor.u32 $0x12, v1;
	_ =	sdelay $0x3  }
0xde: {  	[tilespmem:s18+$0x80] =	vst v2  }
0xdf: {  	v2 =	vld.idx.msk [tilespmem:v3+s9+$0x0], $0xffff;
	_ =	sdelay $0x1  }
0xe0: {  	v3 =	vor.u32 $0x13, v1;
	_ =	sdelay $0x3  }
0xe1: {  	[tilespmem:s18+$0x100] =	vst v2  }
0xe2: {  	v2 =	vld.idx.msk [tilespmem:v3+s9+$0x0], $0xffff;
	_ =	sdelay $0x1  }
0xe3: {  	v3 =	vor.u32 $0x14, v1;
	_ =	sdelay $0x3  }
0xe4: {  	[tilespmem:s18+$0x180] =	vst v2  }
0xe5: {  	v2 =	vld.idx.msk [tilespmem:v3+s9+$0x0], $0xffff;
	_ =	sdelay $0x1  }
0xe6: {  	v3 =	vor.u32 $0x15, v1;
	_ =	sdelay $0x3  }
0xe7: {  	[tilespmem:s18+$0x200] =	vst v2  }
0xe8: {  	v2 =	vld.idx.msk [tilespmem:v3+s9+$0x0], $0xffff;
	_ =	sdelay $0x1  }
0xe9: {  	v3 =	vor.u32 $0x16, v1;
	_ =	sdelay $0x3  }
0xea: {  	[tilespmem:s18+$0x280] =	vst v2  }
0xeb: {  	v2 =	vld.idx.msk [tilespmem:v3+s9+$0x0], $0xffff;
	_ =	sdelay $0x1  }
0xec: {  	v3 =	vor.u32 $0x17, v1;
	_ =	sdelay $0x3  }
0xed: {  	[tilespmem:s18+$0x300] =	vst v2  }
0xee: {  	v2 =	vld.idx.msk [tilespmem:v3+s9+$0x0], $0xffff;
	_ =	sdelay $0x1  }
0xef: {  	v3 =	vor.u32 $0x18, v1;
	_ =	sdelay $0x3  }
0xf0: {  	[tilespmem:s18+$0x380] =	vst v2  }
0xf1: {  	v2 =	vld.idx.msk [tilespmem:v3+s9+$0x0], $0xffff;
	_ =	sdelay $0x1  }
0xf2: {  	v3 =	vor.u32 $0x19, v1;
	_ =	sdelay $0x3  }
0xf3: {  	[tilespmem:s18+$0x1000] =	vst v2  }
0xf4: {  	v2 =	vld.idx.msk [tilespmem:v3+s9+$0x0], $0xffff;
	_ =	sdelay $0x1  }
0xf5: {  	v3 =	vor.u32 $0x1A, v1;
	_ =	sdelay $0x3  }
0xf6: {  	[tilespmem:s18+$0x1080] =	vst v2  }
0xf7: {  	v2 =	vld.idx.msk [tilespmem:v3+s9+$0x0], $0xffff;
	_ =	sdelay $0x1  }
0xf8: {  	v3 =	vor.u32 $0x1B, v1;
	_ =	sdelay $0x3  }
0xf9: {  	[tilespmem:s18+$0x1100] =	vst v2  }
0xfa: {  	v2 =	vld.idx.msk [tilespmem:v3+s9+$0x0], $0xffff;
	_ =	sdelay $0x1  }
0xfb: {  	v3 =	vor.u32 $0x1C, v1;
	_ =	sdelay $0x3  }
0xfc: {  	[tilespmem:s18+$0x1180] =	vst v2  }
0xfd: {  	v2 =	vld.idx.msk [tilespmem:v3+s9+$0x0], $0xffff;
	_ =	sdelay $0x1  }
0xfe: {  	v3 =	vor.u32 $0x1D, v1;
	_ =	sdelay $0x3  }
0xff: {  	[tilespmem:s18+$0x1200] =	vst v2  }
0x100: {  	v2 =	vld.idx.msk [tilespmem:v3+s9+$0x0], $0xffff;
	_ =	sdelay $0x1  }
0x101: {  	v3 =	vor.u32 $0x1E, v1;
	_ =	sdelay $0x3  }
0x102: {  	[tilespmem:s18+$0x1280] =	vst v2  }
0x103: {  	v2 =	vld.idx.msk [tilespmem:v3+s9+$0x0], $0xffff;
	_ =	sdelay $0x1  }
0x104: {  	v1 =	vor.u32 $0x1F, v1  }
.Ltmp0:
0x105: {  	(pc) =	sbr.rel @p0 .LBB2_3-.Ltmp0, $3  }
0x106: {  	_ =	sdelay $0x1  }
0x107: {  	[tilespmem:s18+$0x1300] =	vst v2  }
0x108: {  	v1 =	vld.idx.msk [tilespmem:v1+s9+$0x0], $0xffff  }
0x109: {  	s17 =	sadd.s32 $0x1, s17  }
0x10a: {  	p0 =	sne.s32 s17, $0x4  }
.Ltmp1:
0x10b: {  	_ = 	snop;
	(pc) =	sbr.rel @p0 .LBB2_2-.Ltmp1, $2  }
0x10c: {  	_ =	sdelay $0x2  }
0x10d: {  	s16 =	sadd.s32 $0x80, s16;
	s15 =	sadd.s32 $0x400, s15;
	[tilespmem:s18+$0x1380] =	vst v1  }
0x10e: {  	s14 =	sadd.s32 $0x1, s14  }
0x10f: {  	p0 =	sne.s32 s14, s6  }
.Ltmp2:
0x110: {  	_ = 	snop;
	(pc) =	sbr.rel @p0 .LBB2_1-.Ltmp2, $4  }
0x111: {  	[hbm4b:s5+s11] =	stream.strided.scatter [tilespmem:s13], [sflag:$0x2], $0x4000, s12, s11, $0x38;
	[tilespmem:$0x8400] =	vst v63  }
0x112: {  	_ =	swait.ge [sflag:s7], $0x4000  }
0x113: {  	[sflag:s7] =	ssyncset.done $0x0  }
0x114: {  	[sflag:s7] =	ssyncadd.s32 $0xFFFFC000  }
0x115: {  	_ =	sfence.sel $0x180000  }
0x116: {  	[bflag:$0x0] =	sbarrier.arrive $0xFFFF  }
0x117: {  	p0 =	sne.s32 s1, $0x0;
	_ =	strace $0x90000047  }
0x118: {  	s0 =	sadd.s32 @!p0 $0x100000, s0;
	[bflag:$0x2] =	sbarrier.arrive $0xFFFF  }
0x119: {  	[sflag:s0] =	ssyncadd.tile.s32 @!p0 $0x1;
	_ =	shalt  }
.Lfunc_end2:
_tile_overlayer_lowered:
.L_overlay_start_2:
0x11a: {  	(tag) =	ssettag $0x2  }
0x11b: {  	s0 =	rddreg [dreg:$0x0];
	s2 =	stileid.u32  }
0x11c: {  	s1 =	rddreg [dreg:$0x1];
	p0 =	sne.s32 s2, $0x0  }
0x11d: {  	s3 =	rddreg [dreg:$0x2];
	[bflag:$0x3] =	sbarrier.arrive $0xFFFF;
	s2 =	simm.s32 @!p0 $0x1C02  }
0x11e: {  	[timem:s3], [sflag:s2] =	dma.local @!p0 [hbm:s0], s1  }
0x11f: {  	s0 =	simm.s32 @!p0 $0x2  }
0x120: {  	_ =	swait.ge @!p0 [sflag:s0], s1  }
0x121: {  	s1 =	ssub.s32 @!p0 $0x0, s1;
	[sflag:s0] =	ssyncset.done @!p0 $0x0  }
0x122: {  	[sflag:s0] =	ssyncadd.s32 @!p0 s1  }
0x123: {  	[bflag:$0x3] =	sbarrier.arrive $0xFFFF  }
0x124: {  	_ =	shalt  }

</sc_bundles>
